<compile_context>
chip_gen: v7x
topology: tpu7x:2x2x1
jax: 0.10.2.dev20260603
libtpu: 0.0.44.dev20260713+nightly
codegen_flags: <defaults>
</compile_context>

<pallas_src>
import functools

import jax
import jax.numpy as jnp
from jax import lax
from jax.experimental import pallas as pl
from jax.experimental.pallas import tpu as pltpu
from jax.experimental.pallas import tpu_sc as plsc

N = 10000
E = 320000
D_IN = 128
D_HID = 128
PAD2 = 16
DEG_W = 8

NC = 2
NS = 16
NW = NC * NS
EW = E // NW
ROWS_T = N // NS

_MESH = plsc.VectorSubcoreMesh(core_axis_name="c", subcore_axis_name="s")


def _seg_sum_sc(d, gather, chunk, dtype=jnp.float32):
    nch = EW // chunk
    scratch = [
        pltpu.VMEM((nch, chunk), jnp.int32),
        pltpu.VMEM((2, chunk, d), dtype),
        pltpu.VMEM_SHARED((N, d), dtype),
        pltpu.SemaphoreType.DMA,
        pltpu.SemaphoreType.DMA,
    ]
    if gather:
        scratch.insert(0, pltpu.VMEM((nch, chunk), jnp.int32))

    def body(*refs):
        if gather:
            (table, srcs, dsts, zeros, out,
             src_v, dst_v, buf_v, acc_sh, sem0, sem1) = refs
        else:
            (ones, dsts, zeros, out,
             dst_v, buf_v, acc_sh, sem0, sem1) = refs
        cid = lax.axis_index("c")
        sid = lax.axis_index("s")
        r0 = sid * ROWS_T
        pltpu.sync_copy(zeros, acc_sh.at[pl.ds(r0, ROWS_T)])
        pltpu.sync_copy(dsts.at[cid, sid], dst_v)
        if gather:
            pltpu.sync_copy(srcs.at[cid, sid], src_v)
            sems = (sem0, sem1)

            def gather_start(j, b):
                pltpu.async_copy(table.at[src_v.at[j]], buf_v.at[b], sems[b])

            def gather_wait(j, b):
                pltpu.make_async_copy(table.at[src_v.at[j]], buf_v.at[b],
                                      sems[b]).wait()

            plsc.subcore_barrier()
            gather_start(0, 0)

            def step(jj, carry):
                j = jj * 2
                gather_start(j + 1, 1)
                gather_wait(j, 0)
                pltpu.sync_copy(buf_v.at[0], acc_sh.at[dst_v.at[j]], add=True)

                @pl.when(j + 2 < nch)
                def _():
                    gather_start(j + 2, 0)

                gather_wait(j + 1, 1)
                pltpu.sync_copy(buf_v.at[1], acc_sh.at[dst_v.at[j + 1]],
                                add=True)
                return carry

            lax.fori_loop(0, nch // 2, step, 0)
        else:
            pltpu.sync_copy(ones, buf_v.at[0])
            plsc.subcore_barrier()

            def step(j, carry):
                pltpu.sync_copy(buf_v.at[0], acc_sh.at[dst_v.at[j]], add=True)
                return carry

            lax.fori_loop(0, nch, step, 0)
        plsc.subcore_barrier()
        pltpu.sync_copy(acc_sh.at[pl.ds(r0, ROWS_T)],
                        out.at[cid, pl.ds(r0, ROWS_T)])

    return pl.kernel(
        body,
        out_type=jax.ShapeDtypeStruct((NC, N, d), dtype),
        mesh=_MESH,
        scratch_types=scratch,
        compiler_params=pltpu.CompilerParams(use_tc_tiling_on_sc=False),
    )


def _deg_sc_body(dsts, zn, out, dst_v, acc_v):
    cid = lax.axis_index("c")
    sid = lax.axis_index("s")
    pltpu.sync_copy(zn, acc_v)
    pltpu.sync_copy(dsts.at[cid, sid], dst_v)
    ones = jnp.ones((16,), jnp.float32)

    def step(i, carry):
        d16 = dst_v[pl.ds(i * 16, 16)]
        plsc.addupdate_scatter(acc_v, [d16], ones)
        return carry

    lax.fori_loop(0, EW // 16, step, 0)
    pltpu.sync_copy(acc_v, out.at[cid, sid])


_deg_sc = pl.kernel(
    _deg_sc_body,
    out_type=jax.ShapeDtypeStruct((NC, NS, N), jnp.float32),
    mesh=_MESH,
    scratch_types=[
        pltpu.VMEM((EW,), jnp.int32),
        pltpu.VMEM((N,), jnp.float32),
    ],
    compiler_params=pltpu.CompilerParams(use_tc_tiling_on_sc=False,
                                         needs_layout_passes=False),
)


def _agg2_sc_body(c0, c1, srcs, dsts, zn, out,
                  c0_v, c1_v, src_v, dst_v, a0_v, a1_v):
    cid = lax.axis_index("c")
    sid = lax.axis_index("s")
    pltpu.sync_copy(zn, a0_v)
    pltpu.sync_copy(zn, a1_v)
    pltpu.sync_copy(c0, c0_v)
    pltpu.sync_copy(c1, c1_v)
    pltpu.sync_copy(srcs.at[cid, sid], src_v)
    pltpu.sync_copy(dsts.at[cid, sid], dst_v)

    def step(i, carry):
        s16 = src_v[pl.ds(i * 16, 16)]
        d16 = dst_v[pl.ds(i * 16, 16)]
        plsc.addupdate_scatter(a0_v, [d16], plsc.load_gather(c0_v, [s16]))
        plsc.addupdate_scatter(a1_v, [d16], plsc.load_gather(c1_v, [s16]))
        return carry

    lax.fori_loop(0, EW // 16, step, 0)
    pltpu.sync_copy(a0_v, out.at[cid, sid, 0])
    pltpu.sync_copy(a1_v, out.at[cid, sid, 1])


_agg2_sc = pl.kernel(
    _agg2_sc_body,
    out_type=jax.ShapeDtypeStruct((NC, NS, 2, N), jnp.float32),
    mesh=_MESH,
    scratch_types=[
        pltpu.VMEM((N,), jnp.float32),
        pltpu.VMEM((N,), jnp.float32),
        pltpu.VMEM((EW,), jnp.int32),
        pltpu.VMEM((EW,), jnp.int32),
        pltpu.VMEM((N,), jnp.float32),
        pltpu.VMEM((N,), jnp.float32),
    ],
    compiler_params=pltpu.CompilerParams(use_tc_tiling_on_sc=False,
                                         needs_layout_passes=False),
)


def _tc1_body(x_ref, w1_ref, degp_ref, hws_ref, dinv_ref):
    deg = degp_ref[...].sum(axis=(0, 1)) + 1.0
    dinv = lax.rsqrt(deg)
    hw = jnp.dot(x_ref[...], w1_ref[...], preferred_element_type=jnp.float32)
    hws_ref[...] = (hw * dinv[:, None]).astype(jnp.bfloat16)
    dinv_ref[...] = dinv[:, None]


def _tc2_body(p_ref, hws1_ref, dinv_ref, b1_ref, w2_ref, c0_ref, c1_ref):
    dinv = dinv_ref[...]
    agg = (p_ref[0].astype(jnp.float32) + p_ref[1].astype(jnp.float32)
           + hws1_ref[...].astype(jnp.float32))
    h = jnp.tanh(dinv * agg + b1_ref[...])
    hw2 = dinv * jnp.dot(h, w2_ref[...], preferred_element_type=jnp.float32)
    c0_ref[...] = hw2[:, 0:1]
    c1_ref[...] = hw2[:, 1:2]


def _tc3_body(p_ref, c0_ref, c1_ref, dinv_ref, b2_ref, wc_ref, bc_ref,
              out_ref):
    psum = p_ref[...].sum(axis=(0, 1))
    dinv = dinv_ref[...][:, 0]
    e0 = jnp.tanh(dinv * (psum[0] + c0_ref[...][:, 0]) + b2_ref[0, 0])
    e1 = jnp.tanh(dinv * (psum[1] + c1_ref[...][:, 0]) + b2_ref[0, 1])
    out_ref[...] = jax.nn.sigmoid(
        e0 * wc_ref[0, 0] + e1 * wc_ref[1, 0] + bc_ref[0, 0])[:, None]


def kernel(x, edge_index, W1, b1, W2, b2, Wc, bc):
    src_b = edge_index[0].reshape(NC, NS, EW // 125, 125)
    dst_b = edge_index[1].reshape(NC, NS, EW // 125, 125)
    src_f = edge_index[0].reshape(NC, NS, EW)
    dst_f = edge_index[1].reshape(NC, NS, EW)

    zeros128 = jnp.zeros((ROWS_T, D_HID), jnp.bfloat16)
    zn = jnp.zeros((N,), jnp.float32)
    W2p = jnp.concatenate(
        [W2, jnp.zeros((D_HID, PAD2 - W2.shape[1]), jnp.float32)], axis=1)

    degp = _deg_sc(dst_f, zn)

    hws1, dinv = pl.pallas_call(
        _tc1_body,
        out_shape=[
            jax.ShapeDtypeStruct((N, D_HID), jnp.bfloat16),
            jax.ShapeDtypeStruct((N, 1), jnp.float32),
        ],
    )(x, W1, degp)

    p1 = _seg_sum_sc(D_HID, gather=True, chunk=125,
                     dtype=jnp.bfloat16)(hws1, src_b, dst_b, zeros128)

    c0, c1 = pl.pallas_call(
        _tc2_body,
        out_shape=[
            jax.ShapeDtypeStruct((N, 1), jnp.float32),
            jax.ShapeDtypeStruct((N, 1), jnp.float32),
        ],
    )(p1, hws1, dinv, b1.reshape(1, D_HID), W2p)

    p2 = _agg2_sc(c0.reshape(N), c1.reshape(N), src_f, dst_f, zn)

    out = pl.pallas_call(
        _tc3_body,
        out_shape=jax.ShapeDtypeStruct((N, 1), jnp.float32),
    )(p2, c0, c1, dinv, b2.reshape(1, 2), Wc, bc.reshape(1, 1))

    return out

# --- scband reference (transcript-rebuilt; emitter-appended) ---
"""Pipeline reference for scband-gcn-25202868093367 (READ-ONLY COPY).

The authoritative reference and input builder live on the scoring server;
editing this copy changes nothing except your own understanding.
"""

import jax, jax.numpy as jnp
import numpy as np

N = 10000
E = 320000
D_IN = 128
D_HID = 128
D_EMB = 2
D_OUT = 1


def setup_inputs(seed: int = 0) -> dict:
    key = jax.random.key(seed)
    ks = jax.random.split(key, 8)
    x = jax.random.normal(ks[0], (N, D_IN), dtype=jnp.float32)
    edge_index = jax.random.randint(ks[1], (2, E), 0, N, dtype=jnp.int32)
    W1 = jax.random.normal(ks[2], (D_IN, D_HID), dtype=jnp.float32) * (1.0 / np.sqrt(D_IN))
    b1 = jnp.zeros((D_HID,), dtype=jnp.float32)
    W2 = jax.random.normal(ks[3], (D_HID, D_EMB), dtype=jnp.float32) * (1.0 / np.sqrt(D_HID))
    b2 = jnp.zeros((D_EMB,), dtype=jnp.float32)
    Wc = jax.random.normal(ks[4], (D_EMB, D_OUT), dtype=jnp.float32) * (1.0 / np.sqrt(D_EMB))
    bc = jnp.zeros((D_OUT,), dtype=jnp.float32)
    return {"x": x, "edge_index": edge_index, "W1": W1, "b1": b1, "W2": W2, "b2": b2, "Wc": Wc, "bc": bc}


def reference(x, edge_index, W1, b1, W2, b2, Wc, bc):
    n = x.shape[0]
    loop = jnp.arange(n, dtype=edge_index.dtype)
    src = jnp.concatenate([edge_index[0], loop])
    dst = jnp.concatenate([edge_index[1], loop])
    # symmetric GCN normalization (with self-loops), degree computed on dst as in PyG
    deg = jnp.zeros((n,), dtype=x.dtype).at[dst].add(1.0)
    dinv = jnp.where(deg > 0, jax.lax.rsqrt(deg), 0.0)
    norm = dinv[src] * dinv[dst]

    def gcn_conv(h, W, b):
        hw = h @ W
        msg = hw[src] * norm[:, None]
        agg = jnp.zeros_like(hw).at[dst].add(msg)
        return agg + b

    h = jnp.tanh(gcn_conv(x, W1, b1))
    emb = jnp.tanh(gcn_conv(h, W2, b2))
    out = jax.nn.sigmoid(emb @ Wc + bc)
    return out

if __name__ == "__main__":
    import jax
    _d = setup_inputs()
    print(jax.jit(kernel)(*tuple(_d.values())))

</pallas_src>

<mosaic_0001>
#map = affine_map<(d0, d1) -> (0, 0, 0)>
#map1 = affine_map<(d0, d1) -> (0)>
module attributes {stable_mosaic.version = 14 : i64} {
  func.func @_deg_sc_body(%arg0: i32, %arg1: i32, %arg2: memref<2x16x10000xi32, #tpu.memory_space<hbm>>, %arg3: memref<10000xf32, #tpu.memory_space<hbm>>, %arg4: memref<2x16x10000xf32, #tpu.memory_space<hbm>>, %arg5: memref<10000xi32, #tpu.memory_space<vmem>>, %arg6: memref<10000xf32, #tpu.memory_space<vmem>>) attributes {dimension_semantics = [#tpu.dimension_semantics<core_parallel>, #tpu.dimension_semantics<subcore_parallel>], iteration_bounds = array<i64: 2, 16>, scalar_prefetch = 0 : i64, scratch_operands = 2 : i64, tpu.core_type = #tpu.core_type<sc_vector_subcore>, window_params = [{transform_indices = #map}, {transform_indices = #map1}, {transform_indices = #map}]} {
    "tpu.region"() ({
      %run_scoped3A = tpu.sem_alloc : memref<!tpu.dma_semaphore, #tpu.memory_space<semaphore_mem>>
      tpu.enqueue_dma source(%arg3 : memref<10000xf32, #tpu.memory_space<hbm>>) target(%arg6 : memref<10000xf32, #tpu.memory_space<vmem>>) target_semaphore(%run_scoped3A : memref<!tpu.dma_semaphore, #tpu.memory_space<semaphore_mem>>)
      tpu.wait_dma2 semaphore(%run_scoped3A : memref<!tpu.dma_semaphore, #tpu.memory_space<semaphore_mem>>) src(%arg3 : memref<10000xf32, #tpu.memory_space<hbm>>) dst(%arg6 : memref<10000xf32, #tpu.memory_space<vmem>>)
      tpu.yield
    }) : () -> ()
    "tpu.region"() ({
      %run_scoped3A = tpu.sem_alloc : memref<!tpu.dma_semaphore, #tpu.memory_space<semaphore_mem>>
      %dma_start3A = arith.constant 0 : i32
      %dma_start3A_6 = tpu.memref_slice %arg2[%arg0, %arg1, %dma_start3A] : memref<2x16x10000xi32, #tpu.memory_space<hbm>> -> memref<1x1x10000xi32, #tpu.memory_space<hbm>>
      %dma_start3A_7 = tpu.memref_squeeze %dma_start3A_6 : memref<1x1x10000xi32, #tpu.memory_space<hbm>> -> memref<10000xi32, #tpu.memory_space<hbm>>
      %dma_start3A_8 = arith.constant 0 : i32
      %dma_start3A_9 = tpu.memref_slice %arg2[%arg0, %arg1, %dma_start3A_8] : memref<2x16x10000xi32, #tpu.memory_space<hbm>> -> memref<1x1x10000xi32, #tpu.memory_space<hbm>>
      %dma_start3A_10 = tpu.memref_squeeze %dma_start3A_9 : memref<1x1x10000xi32, #tpu.memory_space<hbm>> -> memref<10000xi32, #tpu.memory_space<hbm>>
      tpu.enqueue_dma source(%dma_start3A_10 : memref<10000xi32, #tpu.memory_space<hbm>>) target(%arg5 : memref<10000xi32, #tpu.memory_space<vmem>>) target_semaphore(%run_scoped3A : memref<!tpu.dma_semaphore, #tpu.memory_space<semaphore_mem>>)
      %dma_wait3A = arith.constant 0 : i32
      %dma_wait3A_11 = tpu.memref_slice %arg2[%arg0, %arg1, %dma_wait3A] : memref<2x16x10000xi32, #tpu.memory_space<hbm>> -> memref<1x1x10000xi32, #tpu.memory_space<hbm>>
      %dma_wait3A_12 = tpu.memref_squeeze %dma_wait3A_11 : memref<1x1x10000xi32, #tpu.memory_space<hbm>> -> memref<10000xi32, #tpu.memory_space<hbm>>
      %dma_wait3A_13 = arith.constant 0 : i32
      %dma_wait3A_14 = tpu.memref_slice %arg2[%arg0, %arg1, %dma_wait3A_13] : memref<2x16x10000xi32, #tpu.memory_space<hbm>> -> memref<1x1x10000xi32, #tpu.memory_space<hbm>>
      %dma_wait3A_15 = tpu.memref_squeeze %dma_wait3A_14 : memref<1x1x10000xi32, #tpu.memory_space<hbm>> -> memref<10000xi32, #tpu.memory_space<hbm>>
      tpu.wait_dma2 semaphore(%run_scoped3A : memref<!tpu.dma_semaphore, #tpu.memory_space<semaphore_mem>>) src(%dma_wait3A_15 : memref<10000xi32, #tpu.memory_space<hbm>>) dst(%arg5 : memref<10000xi32, #tpu.memory_space<vmem>>)
      tpu.yield
    }) : () -> ()
    %broadcast_in_dim3A = arith.constant 1.000000e+00 : f32
    %broadcast_in_dim3A_0 = vector.broadcast %broadcast_in_dim3A : f32 to vector<16xf32>
    %scan3A = arith.constant 0 : i32
    %scan3A_1 = arith.constant 0 : i32
    %scan3A_2 = arith.constant 625 : i32
    %scan3A_3 = arith.addi %scan3A_1, %scan3A_2 : i32
    %scan3A_4 = arith.constant 1 : i32
    scf.for %scan3A_6 = %scan3A_1 to %scan3A_3 step %scan3A_4  : i32 {
      %mul3A = arith.constant 16 : i32
      %mul3A_7 = arith.muli %scan3A_6, %mul3A : i32
      %get3A = arith.index_cast %mul3A_7 : i32 to index
      %get3A_8 = tpu.vector_load %arg5[%get3A] {strides = array<i32>} : memref<10000xi32, #tpu.memory_space<vmem>>, vector<16xi32>,
      tpu.vector_store_idx %arg6[%get3A_8], %broadcast_in_dim3A_0 {add = true} : memref<10000xf32, #tpu.memory_space<vmem>>[vector<16xi32>], vector<16xf32>,
    }
    %scan3A_5 = arith.constant 625 : i32
    "tpu.region"() ({
      %run_scoped3A = tpu.sem_alloc : memref<!tpu.dma_semaphore, #tpu.memory_space<semaphore_mem>>
      %dma_start3A = arith.constant 0 : i32
      %dma_start3A_6 = tpu.memref_slice %arg4[%arg0, %arg1, %dma_start3A] : memref<2x16x10000xf32, #tpu.memory_space<hbm>> -> memref<1x1x10000xf32, #tpu.memory_space<hbm>>
      %dma_start3A_7 = tpu.memref_squeeze %dma_start3A_6 : memref<1x1x10000xf32, #tpu.memory_space<hbm>> -> memref<10000xf32, #tpu.memory_space<hbm>>
      %dma_start3A_8 = arith.constant 0 : i32
      %dma_start3A_9 = tpu.memref_slice %arg4[%arg0, %arg1, %dma_start3A_8] : memref<2x16x10000xf32, #tpu.memory_space<hbm>> -> memref<1x1x10000xf32, #tpu.memory_space<hbm>>
      %dma_start3A_10 = tpu.memref_squeeze %dma_start3A_9 : memref<1x1x10000xf32, #tpu.memory_space<hbm>> -> memref<10000xf32, #tpu.memory_space<hbm>>
      tpu.enqueue_dma source(%arg6 : memref<10000xf32, #tpu.memory_space<vmem>>) target(%dma_start3A_10 : memref<10000xf32, #tpu.memory_space<hbm>>) target_semaphore(%run_scoped3A : memref<!tpu.dma_semaphore, #tpu.memory_space<semaphore_mem>>)
      %dma_wait3A = arith.constant 0 : i32
      %dma_wait3A_11 = tpu.memref_slice %arg4[%arg0, %arg1, %dma_wait3A] : memref<2x16x10000xf32, #tpu.memory_space<hbm>> -> memref<1x1x10000xf32, #tpu.memory_space<hbm>>
      %dma_wait3A_12 = tpu.memref_squeeze %dma_wait3A_11 : memref<1x1x10000xf32, #tpu.memory_space<hbm>> -> memref<10000xf32, #tpu.memory_space<hbm>>
      %dma_wait3A_13 = arith.constant 0 : i32
      %dma_wait3A_14 = tpu.memref_slice %arg4[%arg0, %arg1, %dma_wait3A_13] : memref<2x16x10000xf32, #tpu.memory_space<hbm>> -> memref<1x1x10000xf32, #tpu.memory_space<hbm>>
      %dma_wait3A_15 = tpu.memref_squeeze %dma_wait3A_14 : memref<1x1x10000xf32, #tpu.memory_space<hbm>> -> memref<10000xf32, #tpu.memory_space<hbm>>
      tpu.wait_dma2 semaphore(%run_scoped3A : memref<!tpu.dma_semaphore, #tpu.memory_space<semaphore_mem>>) src(%arg6 : memref<10000xf32, #tpu.memory_space<vmem>>) dst(%dma_wait3A_15 : memref<10000xf32, #tpu.memory_space<hbm>>)
      tpu.yield
    }) : () -> ()
    return
  }
}

#map = affine_map<(d0, d1) -> (0)>
#map1 = affine_map<(d0, d1) -> (0, 0, 0)>
#map2 = affine_map<(d0, d1) -> (0, 0, 0, 0)>
module attributes {stable_mosaic.version = 14 : i64} {
  func.func @_agg2_sc_body(%arg0: i32, %arg1: i32, %arg2: memref<10000xf32, #tpu.memory_space<hbm>>, %arg3: memref<10000xf32, #tpu.memory_space<hbm>>, %arg4: memref<2x16x10000xi32, #tpu.memory_space<hbm>>, %arg5: memref<2x16x10000xi32, #tpu.memory_space<hbm>>, %arg6: memref<10000xf32, #tpu.memory_space<hbm>>, %arg7: memref<2x16x2x10000xf32, #tpu.memory_space<hbm>>, %arg8: memref<10000xf32, #tpu.memory_space<vmem>>, %arg9: memref<10000xf32, #tpu.memory_space<vmem>>, %arg10: memref<10000xi32, #tpu.memory_space<vmem>>, %arg11: memref<10000xi32, #tpu.memory_space<vmem>>, %arg12: memref<10000xf32, #tpu.memory_space<vmem>>, %arg13: memref<10000xf32, #tpu.memory_space<vmem>>) attributes {dimension_semantics = [#tpu.dimension_semantics<core_parallel>, #tpu.dimension_semantics<subcore_parallel>], iteration_bounds = array<i64: 2, 16>, scalar_prefetch = 0 : i64, scratch_operands = 6 : i64, tpu.core_type = #tpu.core_type<sc_vector_subcore>, window_params = [{transform_indices = #map}, {transform_indices = #map}, {transform_indices = #map1}, {transform_indices = #map1}, {transform_indices = #map}, {transform_indices = #map2}]} {
    "tpu.region"() ({
      %run_scoped3A_6 = tpu.sem_alloc : memref<!tpu.dma_semaphore, #tpu.memory_space<semaphore_mem>>
      tpu.enqueue_dma source(%arg6 : memref<10000xf32, #tpu.memory_space<hbm>>) target(%arg12 : memref<10000xf32, #tpu.memory_space<vmem>>) target_semaphore(%run_scoped3A_6 : memref<!tpu.dma_semaphore, #tpu.memory_space<semaphore_mem>>)
      tpu.wait_dma2 semaphore(%run_scoped3A_6 : memref<!tpu.dma_semaphore, #tpu.memory_space<semaphore_mem>>) src(%arg6 : memref<10000xf32, #tpu.memory_space<hbm>>) dst(%arg12 : memref<10000xf32, #tpu.memory_space<vmem>>)
      tpu.yield
    }) : () -> ()
    "tpu.region"() ({
      %run_scoped3A_6 = tpu.sem_alloc : memref<!tpu.dma_semaphore, #tpu.memory_space<semaphore_mem>>
      tpu.enqueue_dma source(%arg6 : memref<10000xf32, #tpu.memory_space<hbm>>) target(%arg13 : memref<10000xf32, #tpu.memory_space<vmem>>) target_semaphore(%run_scoped3A_6 : memref<!tpu.dma_semaphore, #tpu.memory_space<semaphore_mem>>)
      tpu.wait_dma2 semaphore(%run_scoped3A_6 : memref<!tpu.dma_semaphore, #tpu.memory_space<semaphore_mem>>) src(%arg6 : memref<10000xf32, #tpu.memory_space<hbm>>) dst(%arg13 : memref<10000xf32, #tpu.memory_space<vmem>>)
      tpu.yield
    }) : () -> ()
    "tpu.region"() ({
      %run_scoped3A_6 = tpu.sem_alloc : memref<!tpu.dma_semaphore, #tpu.memory_space<semaphore_mem>>
      tpu.enqueue_dma source(%arg2 : memref<10000xf32, #tpu.memory_space<hbm>>) target(%arg8 : memref<10000xf32, #tpu.memory_space<vmem>>) target_semaphore(%run_scoped3A_6 : memref<!tpu.dma_semaphore, #tpu.memory_space<semaphore_mem>>)
      tpu.wait_dma2 semaphore(%run_scoped3A_6 : memref<!tpu.dma_semaphore, #tpu.memory_space<semaphore_mem>>) src(%arg2 : memref<10000xf32, #tpu.memory_space<hbm>>) dst(%arg8 : memref<10000xf32, #tpu.memory_space<vmem>>)
      tpu.yield
    }) : () -> ()
    "tpu.region"() ({
      %run_scoped3A_6 = tpu.sem_alloc : memref<!tpu.dma_semaphore, #tpu.memory_space<semaphore_mem>>
      tpu.enqueue_dma source(%arg3 : memref<10000xf32, #tpu.memory_space<hbm>>) target(%arg9 : memref<10000xf32, #tpu.memory_space<vmem>>) target_semaphore(%run_scoped3A_6 : memref<!tpu.dma_semaphore, #tpu.memory_space<semaphore_mem>>)
      tpu.wait_dma2 semaphore(%run_scoped3A_6 : memref<!tpu.dma_semaphore, #tpu.memory_space<semaphore_mem>>) src(%arg3 : memref<10000xf32, #tpu.memory_space<hbm>>) dst(%arg9 : memref<10000xf32, #tpu.memory_space<vmem>>)
      tpu.yield
    }) : () -> ()
    "tpu.region"() ({
      %run_scoped3A_6 = tpu.sem_alloc : memref<!tpu.dma_semaphore, #tpu.memory_space<semaphore_mem>>
      %dma_start3A = arith.constant 0 : i32
      %dma_start3A_7 = tpu.memref_slice %arg4[%arg0, %arg1, %dma_start3A] : memref<2x16x10000xi32, #tpu.memory_space<hbm>> -> memref<1x1x10000xi32, #tpu.memory_space<hbm>>
      %dma_start3A_8 = tpu.memref_squeeze %dma_start3A_7 : memref<1x1x10000xi32, #tpu.memory_space<hbm>> -> memref<10000xi32, #tpu.memory_space<hbm>>
      %dma_start3A_9 = arith.constant 0 : i32
      %dma_start3A_10 = tpu.memref_slice %arg4[%arg0, %arg1, %dma_start3A_9] : memref<2x16x10000xi32, #tpu.memory_space<hbm>> -> memref<1x1x10000xi32, #tpu.memory_space<hbm>>
      %dma_start3A_11 = tpu.memref_squeeze %dma_start3A_10 : memref<1x1x10000xi32, #tpu.memory_space<hbm>> -> memref<10000xi32, #tpu.memory_space<hbm>>
      tpu.enqueue_dma source(%dma_start3A_11 : memref<10000xi32, #tpu.memory_space<hbm>>) target(%arg10 : memref<10000xi32, #tpu.memory_space<vmem>>) target_semaphore(%run_scoped3A_6 : memref<!tpu.dma_semaphore, #tpu.memory_space<semaphore_mem>>)
      %dma_wait3A = arith.constant 0 : i32
      %dma_wait3A_12 = tpu.memref_slice %arg4[%arg0, %arg1, %dma_wait3A] : memref<2x16x10000xi32, #tpu.memory_space<hbm>> -> memref<1x1x10000xi32, #tpu.memory_space<hbm>>
      %dma_wait3A_13 = tpu.memref_squeeze %dma_wait3A_12 : memref<1x1x10000xi32, #tpu.memory_space<hbm>> -> memref<10000xi32, #tpu.memory_space<hbm>>
      %dma_wait3A_14 = arith.constant 0 : i32
      %dma_wait3A_15 = tpu.memref_slice %arg4[%arg0, %arg1, %dma_wait3A_14] : memref<2x16x10000xi32, #tpu.memory_space<hbm>> -> memref<1x1x10000xi32, #tpu.memory_space<hbm>>
      %dma_wait3A_16 = tpu.memref_squeeze %dma_wait3A_15 : memref<1x1x10000xi32, #tpu.memory_space<hbm>> -> memref<10000xi32, #tpu.memory_space<hbm>>
      tpu.wait_dma2 semaphore(%run_scoped3A_6 : memref<!tpu.dma_semaphore, #tpu.memory_space<semaphore_mem>>) src(%dma_wait3A_16 : memref<10000xi32, #tpu.memory_space<hbm>>) dst(%arg10 : memref<10000xi32, #tpu.memory_space<vmem>>)
      tpu.yield
    }) : () -> ()
    "tpu.region"() ({
      %run_scoped3A_6 = tpu.sem_alloc : memref<!tpu.dma_semaphore, #tpu.memory_space<semaphore_mem>>
      %dma_start3A = arith.constant 0 : i32
      %dma_start3A_7 = tpu.memref_slice %arg5[%arg0, %arg1, %dma_start3A] : memref<2x16x10000xi32, #tpu.memory_space<hbm>> -> memref<1x1x10000xi32, #tpu.memory_space<hbm>>
      %dma_start3A_8 = tpu.memref_squeeze %dma_start3A_7 : memref<1x1x10000xi32, #tpu.memory_space<hbm>> -> memref<10000xi32, #tpu.memory_space<hbm>>
      %dma_start3A_9 = arith.constant 0 : i32
      %dma_start3A_10 = tpu.memref_slice %arg5[%arg0, %arg1, %dma_start3A_9] : memref<2x16x10000xi32, #tpu.memory_space<hbm>> -> memref<1x1x10000xi32, #tpu.memory_space<hbm>>
      %dma_start3A_11 = tpu.memref_squeeze %dma_start3A_10 : memref<1x1x10000xi32, #tpu.memory_space<hbm>> -> memref<10000xi32, #tpu.memory_space<hbm>>
      tpu.enqueue_dma source(%dma_start3A_11 : memref<10000xi32, #tpu.memory_space<hbm>>) target(%arg11 : memref<10000xi32, #tpu.memory_space<vmem>>) target_semaphore(%run_scoped3A_6 : memref<!tpu.dma_semaphore, #tpu.memory_space<semaphore_mem>>)
      %dma_wait3A = arith.constant 0 : i32
      %dma_wait3A_12 = tpu.memref_slice %arg5[%arg0, %arg1, %dma_wait3A] : memref<2x16x10000xi32, #tpu.memory_space<hbm>> -> memref<1x1x10000xi32, #tpu.memory_space<hbm>>
      %dma_wait3A_13 = tpu.memref_squeeze %dma_wait3A_12 : memref<1x1x10000xi32, #tpu.memory_space<hbm>> -> memref<10000xi32, #tpu.memory_space<hbm>>
      %dma_wait3A_14 = arith.constant 0 : i32
      %dma_wait3A_15 = tpu.memref_slice %arg5[%arg0, %arg1, %dma_wait3A_14] : memref<2x16x10000xi32, #tpu.memory_space<hbm>> -> memref<1x1x10000xi32, #tpu.memory_space<hbm>>
      %dma_wait3A_16 = tpu.memref_squeeze %dma_wait3A_15 : memref<1x1x10000xi32, #tpu.memory_space<hbm>> -> memref<10000xi32, #tpu.memory_space<hbm>>
      tpu.wait_dma2 semaphore(%run_scoped3A_6 : memref<!tpu.dma_semaphore, #tpu.memory_space<semaphore_mem>>) src(%dma_wait3A_16 : memref<10000xi32, #tpu.memory_space<hbm>>) dst(%arg11 : memref<10000xi32, #tpu.memory_space<vmem>>)
      tpu.yield
    }) : () -> ()
    %scan3A = arith.constant 0 : i32
    %scan3A_0 = arith.constant 0 : i32
    %scan3A_1 = arith.constant 625 : i32
    %scan3A_2 = arith.addi %scan3A_0, %scan3A_1 : i32
    %scan3A_3 = arith.constant 1 : i32
    scf.for %scan3A_6 = %scan3A_0 to %scan3A_2 step %scan3A_3  : i32 {
      %mul3A = arith.constant 16 : i32
      %mul3A_7 = arith.muli %scan3A_6, %mul3A : i32
      %get3A = arith.index_cast %mul3A_7 : i32 to index
      %get3A_8 = tpu.vector_load %arg10[%get3A] {strides = array<i32>} : memref<10000xi32, #tpu.memory_space<vmem>>, vector<16xi32>,
      %mul3A_9 = arith.constant 16 : i32
      %mul3A_10 = arith.muli %scan3A_6, %mul3A_9 : i32
      %get3A_11 = arith.index_cast %mul3A_10 : i32 to index
      %get3A_12 = tpu.vector_load %arg11[%get3A_11] {strides = array<i32>} : memref<10000xi32, #tpu.memory_space<vmem>>, vector<16xi32>,
      %gather3A = tpu.vector_load_idx %arg8[%get3A_8] : memref<10000xf32, #tpu.memory_space<vmem>>[vector<16xi32>], vector<16xf32>,
      tpu.vector_store_idx %arg12[%get3A_12], %gather3A {add = true} : memref<10000xf32, #tpu.memory_space<vmem>>[vector<16xi32>], vector<16xf32>,
      %gather3A_13 = tpu.vector_load_idx %arg9[%get3A_8] : memref<10000xf32, #tpu.memory_space<vmem>>[vector<16xi32>], vector<16xf32>,
      tpu.vector_store_idx %arg13[%get3A_12], %gather3A_13 {add = true} : memref<10000xf32, #tpu.memory_space<vmem>>[vector<16xi32>], vector<16xf32>,
    }
    %scan3A_4 = arith.constant 625 : i32
    %run_scoped3A = arith.constant 0 : i32
    "tpu.region"() ({
      %run_scoped3A_6 = tpu.sem_alloc : memref<!tpu.dma_semaphore, #tpu.memory_space<semaphore_mem>>
      %dma_start3A = arith.constant 0 : i32
      %dma_start3A_7 = tpu.memref_slice %arg7[%arg0, %arg1, %run_scoped3A, %dma_start3A] : memref<2x16x2x10000xf32, #tpu.memory_space<hbm>> -> memref<1x1x1x10000xf32, #tpu.memory_space<hbm>>
      %dma_start3A_8 = tpu.memref_squeeze %dma_start3A_7 : memref<1x1x1x10000xf32, #tpu.memory_space<hbm>> -> memref<10000xf32, #tpu.memory_space<hbm>>
      %dma_start3A_9 = arith.constant 0 : i32
      %dma_start3A_10 = tpu.memref_slice %arg7[%arg0, %arg1, %run_scoped3A, %dma_start3A_9] : memref<2x16x2x10000xf32, #tpu.memory_space<hbm>> -> memref<1x1x1x10000xf32, #tpu.memory_space<hbm>>
      %dma_start3A_11 = tpu.memref_squeeze %dma_start3A_10 : memref<1x1x1x10000xf32, #tpu.memory_space<hbm>> -> memref<10000xf32, #tpu.memory_space<hbm>>
      tpu.enqueue_dma source(%arg12 : memref<10000xf32, #tpu.memory_space<vmem>>) target(%dma_start3A_11 : memref<10000xf32, #tpu.memory_space<hbm>>) target_semaphore(%run_scoped3A_6 : memref<!tpu.dma_semaphore, #tpu.memory_space<semaphore_mem>>)
      %dma_wait3A = arith.constant 0 : i32
      %dma_wait3A_12 = tpu.memref_slice %arg7[%arg0, %arg1, %run_scoped3A, %dma_wait3A] : memref<2x16x2x10000xf32, #tpu.memory_space<hbm>> -> memref<1x1x1x10000xf32, #tpu.memory_space<hbm>>
      %dma_wait3A_13 = tpu.memref_squeeze %dma_wait3A_12 : memref<1x1x1x10000xf32, #tpu.memory_space<hbm>> -> memref<10000xf32, #tpu.memory_space<hbm>>
      %dma_wait3A_14 = arith.constant 0 : i32
      %dma_wait3A_15 = tpu.memref_slice %arg7[%arg0, %arg1, %run_scoped3A, %dma_wait3A_14] : memref<2x16x2x10000xf32, #tpu.memory_space<hbm>> -> memref<1x1x1x10000xf32, #tpu.memory_space<hbm>>
      %dma_wait3A_16 = tpu.memref_squeeze %dma_wait3A_15 : memref<1x1x1x10000xf32, #tpu.memory_space<hbm>> -> memref<10000xf32, #tpu.memory_space<hbm>>
      tpu.wait_dma2 semaphore(%run_scoped3A_6 : memref<!tpu.dma_semaphore, #tpu.memory_space<semaphore_mem>>) src(%arg12 : memref<10000xf32, #tpu.memory_space<vmem>>) dst(%dma_wait3A_16 : memref<10000xf32, #tpu.memory_space<hbm>>)
      tpu.yield
    }) : () -> ()
    %run_scoped3A_5 = arith.constant 1 : i32
    "tpu.region"() ({
      %run_scoped3A_6 = tpu.sem_alloc : memref<!tpu.dma_semaphore, #tpu.memory_space<semaphore_mem>>
      %dma_start3A = arith.constant 0 : i32
      %dma_start3A_7 = tpu.memref_slice %arg7[%arg0, %arg1, %run_scoped3A_5, %dma_start3A] : memref<2x16x2x10000xf32, #tpu.memory_space<hbm>> -> memref<1x1x1x10000xf32, #tpu.memory_space<hbm>>
      %dma_start3A_8 = tpu.memref_squeeze %dma_start3A_7 : memref<1x1x1x10000xf32, #tpu.memory_space<hbm>> -> memref<10000xf32, #tpu.memory_space<hbm>>
      %dma_start3A_9 = arith.constant 0 : i32
      %dma_start3A_10 = tpu.memref_slice %arg7[%arg0, %arg1, %run_scoped3A_5, %dma_start3A_9] : memref<2x16x2x10000xf32, #tpu.memory_space<hbm>> -> memref<1x1x1x10000xf32, #tpu.memory_space<hbm>>
      %dma_start3A_11 = tpu.memref_squeeze %dma_start3A_10 : memref<1x1x1x10000xf32, #tpu.memory_space<hbm>> -> memref<10000xf32, #tpu.memory_space<hbm>>
      tpu.enqueue_dma source(%arg13 : memref<10000xf32, #tpu.memory_space<vmem>>) target(%dma_start3A_11 : memref<10000xf32, #tpu.memory_space<hbm>>) target_semaphore(%run_scoped3A_6 : memref<!tpu.dma_semaphore, #tpu.memory_space<semaphore_mem>>)
      %dma_wait3A = arith.constant 0 : i32
      %dma_wait3A_12 = tpu.memref_slice %arg7[%arg0, %arg1, %run_scoped3A_5, %dma_wait3A] : memref<2x16x2x10000xf32, #tpu.memory_space<hbm>> -> memref<1x1x1x10000xf32, #tpu.memory_space<hbm>>
      %dma_wait3A_13 = tpu.memref_squeeze %dma_wait3A_12 : memref<1x1x1x10000xf32, #tpu.memory_space<hbm>> -> memref<10000xf32, #tpu.memory_space<hbm>>
      %dma_wait3A_14 = arith.constant 0 : i32
      %dma_wait3A_15 = tpu.memref_slice %arg7[%arg0, %arg1, %run_scoped3A_5, %dma_wait3A_14] : memref<2x16x2x10000xf32, #tpu.memory_space<hbm>> -> memref<1x1x1x10000xf32, #tpu.memory_space<hbm>>
      %dma_wait3A_16 = tpu.memref_squeeze %dma_wait3A_15 : memref<1x1x1x10000xf32, #tpu.memory_space<hbm>> -> memref<10000xf32, #tpu.memory_space<hbm>>
      tpu.wait_dma2 semaphore(%run_scoped3A_6 : memref<!tpu.dma_semaphore, #tpu.memory_space<semaphore_mem>>) src(%arg13 : memref<10000xf32, #tpu.memory_space<vmem>>) dst(%dma_wait3A_16 : memref<10000xf32, #tpu.memory_space<hbm>>)
      tpu.yield
    }) : () -> ()
    return
  }
}

#map = affine_map<(d0, d1) -> (0, 0)>
#map1 = affine_map<(d0, d1) -> (0, 0, 0, 0)>
#map2 = affine_map<(d0, d1) -> (0, 0, 0)>
module attributes {stable_mosaic.version = 14 : i64} {
  func.func @body(%arg0: i32, %arg1: i32, %arg2: memref<10000x128xbf16, #tpu.memory_space<hbm>>, %arg3: memref<2x16x80x125xi32, #tpu.memory_space<hbm>>, %arg4: memref<2x16x80x125xi32, #tpu.memory_space<hbm>>, %arg5: memref<625x128xbf16, #tpu.memory_space<hbm>>, %arg6: memref<2x10000x128xbf16, #tpu.memory_space<hbm>>, %arg7: memref<80x125xi32, #tpu.memory_space<vmem>>, %arg8: memref<80x125xi32, #tpu.memory_space<vmem>>, %arg9: memref<2x125x128xbf16, #tpu.memory_space<vmem>>, %arg10: memref<10000x128xbf16, #tpu.memory_space<vmem_shared>>, %arg11: memref<!tpu.dma_semaphore, #tpu.memory_space<semaphore_mem>>, %arg12: memref<!tpu.dma_semaphore, #tpu.memory_space<semaphore_mem>>) attributes {dimension_semantics = [#tpu.dimension_semantics<core_parallel>, #tpu.dimension_semantics<subcore_parallel>], iteration_bounds = array<i64: 2, 16>, scalar_prefetch = 0 : i64, scratch_operands = 6 : i64, tpu.core_type = #tpu.core_type<sc_vector_subcore>, window_params = [{transform_indices = #map}, {transform_indices = #map1}, {transform_indices = #map1}, {transform_indices = #map}, {transform_indices = #map2}]} {
    %mul3A = arith.constant 625 : i32
    %mul3A_0 = arith.muli %arg1, %mul3A : i32
    "tpu.region"() ({
      %run_scoped3A = tpu.sem_alloc : memref<!tpu.dma_semaphore, #tpu.memory_space<semaphore_mem>>
      %dma_start3A_18 = arith.constant 0 : i32
      %dma_start3A_19 = tpu.memref_slice %arg10[%mul3A_0, %dma_start3A_18] : memref<10000x128xbf16, #tpu.memory_space<vmem_shared>> -> memref<625x128xbf16, #tpu.memory_space<vmem_shared>>
      tpu.enqueue_dma source(%arg5 : memref<625x128xbf16, #tpu.memory_space<hbm>>) target(%dma_start3A_19 : memref<625x128xbf16, #tpu.memory_space<vmem_shared>>) target_semaphore(%run_scoped3A : memref<!tpu.dma_semaphore, #tpu.memory_space<semaphore_mem>>)
      %dma_wait3A = arith.constant 0 : i32
      %dma_wait3A_20 = tpu.memref_slice %arg10[%mul3A_0, %dma_wait3A] : memref<10000x128xbf16, #tpu.memory_space<vmem_shared>> -> memref<625x128xbf16, #tpu.memory_space<vmem_shared>>
      tpu.wait_dma2 semaphore(%run_scoped3A : memref<!tpu.dma_semaphore, #tpu.memory_space<semaphore_mem>>) src(%arg5 : memref<625x128xbf16, #tpu.memory_space<hbm>>) dst(%dma_wait3A_20 : memref<625x128xbf16, #tpu.memory_space<vmem_shared>>)
      tpu.yield
    }) : () -> ()
    "tpu.region"() ({
      %run_scoped3A = tpu.sem_alloc : memref<!tpu.dma_semaphore, #tpu.memory_space<semaphore_mem>>
      %dma_start3A_18 = arith.constant 0 : i32
      %dma_start3A_19 = arith.constant 0 : i32
      %dma_start3A_20 = tpu.memref_slice %arg4[%arg0, %arg1, %dma_start3A_18, %dma_start3A_19] : memref<2x16x80x125xi32, #tpu.memory_space<hbm>> -> memref<1x1x80x125xi32, #tpu.memory_space<hbm>>
      %dma_start3A_21 = tpu.memref_squeeze %dma_start3A_20 : memref<1x1x80x125xi32, #tpu.memory_space<hbm>> -> memref<80x125xi32, #tpu.memory_space<hbm>>
      %dma_start3A_22 = arith.constant 0 : i32
      %dma_start3A_23 = arith.constant 0 : i32
      %dma_start3A_24 = tpu.memref_slice %arg4[%arg0, %arg1, %dma_start3A_22, %dma_start3A_23] : memref<2x16x80x125xi32, #tpu.memory_space<hbm>> -> memref<1x1x80x125xi32, #tpu.memory_space<hbm>>
      %dma_start3A_25 = tpu.memref_squeeze %dma_start3A_24 : memref<1x1x80x125xi32, #tpu.memory_space<hbm>> -> memref<80x125xi32, #tpu.memory_space<hbm>>
      tpu.enqueue_dma source(%dma_start3A_25 : memref<80x125xi32, #tpu.memory_space<hbm>>) target(%arg8 : memref<80x125xi32, #tpu.memory_space<vmem>>) target_semaphore(%run_scoped3A : memref<!tpu.dma_semaphore, #tpu.memory_space<semaphore_mem>>)
      %dma_wait3A = arith.constant 0 : i32
      %dma_wait3A_26 = arith.constant 0 : i32
      %dma_wait3A_27 = tpu.memref_slice %arg4[%arg0, %arg1, %dma_wait3A, %dma_wait3A_26] : memref<2x16x80x125xi32, #tpu.memory_space<hbm>> -> memref<1x1x80x125xi32, #tpu.memory_space<hbm>>
      %dma_wait3A_28 = tpu.memref_squeeze %dma_wait3A_27 : memref<1x1x80x125xi32, #tpu.memory_space<hbm>> -> memref<80x125xi32, #tpu.memory_space<hbm>>
      %dma_wait3A_29 = arith.constant 0 : i32
      %dma_wait3A_30 = arith.constant 0 : i32
      %dma_wait3A_31 = tpu.memref_slice %arg4[%arg0, %arg1, %dma_wait3A_29, %dma_wait3A_30] : memref<2x16x80x125xi32, #tpu.memory_space<hbm>> -> memref<1x1x80x125xi32, #tpu.memory_space<hbm>>
      %dma_wait3A_32 = tpu.memref_squeeze %dma_wait3A_31 : memref<1x1x80x125xi32, #tpu.memory_space<hbm>> -> memref<80x125xi32, #tpu.memory_space<hbm>>
      tpu.wait_dma2 semaphore(%run_scoped3A : memref<!tpu.dma_semaphore, #tpu.memory_space<semaphore_mem>>) src(%dma_wait3A_32 : memref<80x125xi32, #tpu.memory_space<hbm>>) dst(%arg8 : memref<80x125xi32, #tpu.memory_space<vmem>>)
      tpu.yield
    }) : () -> ()
    "tpu.region"() ({
      %run_scoped3A = tpu.sem_alloc : memref<!tpu.dma_semaphore, #tpu.memory_space<semaphore_mem>>
      %dma_start3A_18 = arith.constant 0 : i32
      %dma_start3A_19 = arith.constant 0 : i32
      %dma_start3A_20 = tpu.memref_slice %arg3[%arg0, %arg1, %dma_start3A_18, %dma_start3A_19] : memref<2x16x80x125xi32, #tpu.memory_space<hbm>> -> memref<1x1x80x125xi32, #tpu.memory_space<hbm>>
      %dma_start3A_21 = tpu.memref_squeeze %dma_start3A_20 : memref<1x1x80x125xi32, #tpu.memory_space<hbm>> -> memref<80x125xi32, #tpu.memory_space<hbm>>
      %dma_start3A_22 = arith.constant 0 : i32
      %dma_start3A_23 = arith.constant 0 : i32
      %dma_start3A_24 = tpu.memref_slice %arg3[%arg0, %arg1, %dma_start3A_22, %dma_start3A_23] : memref<2x16x80x125xi32, #tpu.memory_space<hbm>> -> memref<1x1x80x125xi32, #tpu.memory_space<hbm>>
      %dma_start3A_25 = tpu.memref_squeeze %dma_start3A_24 : memref<1x1x80x125xi32, #tpu.memory_space<hbm>> -> memref<80x125xi32, #tpu.memory_space<hbm>>
      tpu.enqueue_dma source(%dma_start3A_25 : memref<80x125xi32, #tpu.memory_space<hbm>>) target(%arg7 : memref<80x125xi32, #tpu.memory_space<vmem>>) target_semaphore(%run_scoped3A : memref<!tpu.dma_semaphore, #tpu.memory_space<semaphore_mem>>)
      %dma_wait3A = arith.constant 0 : i32
      %dma_wait3A_26 = arith.constant 0 : i32
      %dma_wait3A_27 = tpu.memref_slice %arg3[%arg0, %arg1, %dma_wait3A, %dma_wait3A_26] : memref<2x16x80x125xi32, #tpu.memory_space<hbm>> -> memref<1x1x80x125xi32, #tpu.memory_space<hbm>>
      %dma_wait3A_28 = tpu.memref_squeeze %dma_wait3A_27 : memref<1x1x80x125xi32, #tpu.memory_space<hbm>> -> memref<80x125xi32, #tpu.memory_space<hbm>>
      %dma_wait3A_29 = arith.constant 0 : i32
      %dma_wait3A_30 = arith.constant 0 : i32
      %dma_wait3A_31 = tpu.memref_slice %arg3[%arg0, %arg1, %dma_wait3A_29, %dma_wait3A_30] : memref<2x16x80x125xi32, #tpu.memory_space<hbm>> -> memref<1x1x80x125xi32, #tpu.memory_space<hbm>>
      %dma_wait3A_32 = tpu.memref_squeeze %dma_wait3A_31 : memref<1x1x80x125xi32, #tpu.memory_space<hbm>> -> memref<80x125xi32, #tpu.memory_space<hbm>>
      tpu.wait_dma2 semaphore(%run_scoped3A : memref<!tpu.dma_semaphore, #tpu.memory_space<semaphore_mem>>) src(%dma_wait3A_32 : memref<80x125xi32, #tpu.memory_space<hbm>>) dst(%arg7 : memref<80x125xi32, #tpu.memory_space<vmem>>)
      tpu.yield
    }) : () -> ()
    %barrier3A = arith.constant 0 : index
    tpu.barrier barrier_id(%barrier3A)
    %dma_start3A = arith.constant 0 : i32
    %dma_start3A_1 = arith.constant 0 : i32
    %dma_start3A_2 = arith.constant 0 : i32
    %dma_start3A_3 = arith.constant 0 : i32
    %dma_start3A_4 = tpu.memref_slice %arg9[%dma_start3A_1, %dma_start3A_2, %dma_start3A_3] : memref<2x125x128xbf16, #tpu.memory_space<vmem>> -> memref<1x125x128xbf16, #tpu.memory_space<vmem>>
    %dma_start3A_5 = tpu.memref_squeeze %dma_start3A_4 : memref<1x125x128xbf16, #tpu.memory_space<vmem>> -> memref<125x128xbf16, #tpu.memory_space<vmem>>
    %dma_start3A_6 = arith.constant 0 : i32
    %dma_start3A_7 = tpu.memref_slice %arg7[%dma_start3A, %dma_start3A_6] : memref<80x125xi32, #tpu.memory_space<vmem>> -> memref<1x125xi32, #tpu.memory_space<vmem>>
    %dma_start3A_8 = tpu.memref_squeeze %dma_start3A_7 : memref<1x125xi32, #tpu.memory_space<vmem>> -> memref<125xi32, #tpu.memory_space<vmem>>
    %dma_start3A_9 = arith.constant 0 : i32
    %dma_start3A_10 = arith.constant 0 : i32
    %dma_start3A_11 = tpu.memref_slice %arg2[%dma_start3A_9, %dma_start3A_10] : memref<10000x128xbf16, #tpu.memory_space<hbm>> -> memref<10000x128xbf16, #tpu.memory_space<hbm>>
    tpu.enqueue_indirect_dma source(%dma_start3A_11 : memref<10000x128xbf16, #tpu.memory_space<hbm>>) target(%dma_start3A_5 : memref<125x128xbf16, #tpu.memory_space<vmem>>) offsets(%dma_start3A_8 : memref<125xi32, #tpu.memory_space<vmem>>) semaphore(%arg11 : memref<!tpu.dma_semaphore, #tpu.memory_space<semaphore_mem>>)
    %scan3A = arith.constant 0 : i32
    %scan3A_12 = arith.constant 0 : i32
    %scan3A_13 = arith.constant 40 : i32
    %scan3A_14 = arith.addi %scan3A_12, %scan3A_13 : i32
    %scan3A_15 = arith.constant 1 : i32
    scf.for %scan3A_18 = %scan3A_12 to %scan3A_14 step %scan3A_15  : i32 {
      %mul3A_19 = arith.constant 2 : i32
      %mul3A_20 = arith.muli %scan3A_18, %mul3A_19 : i32
      %add3A = arith.constant 1 : i32
      %add3A_21 = arith.addi %mul3A_20, %add3A : i32
      %dma_start3A_22 = arith.constant 1 : i32
      %dma_start3A_23 = arith.constant 0 : i32
      %dma_start3A_24 = arith.constant 0 : i32
      %dma_start3A_25 = tpu.memref_slice %arg9[%dma_start3A_22, %dma_start3A_23, %dma_start3A_24] : memref<2x125x128xbf16, #tpu.memory_space<vmem>> -> memref<1x125x128xbf16, #tpu.memory_space<vmem>>
      %dma_start3A_26 = tpu.memref_squeeze %dma_start3A_25 : memref<1x125x128xbf16, #tpu.memory_space<vmem>> -> memref<125x128xbf16, #tpu.memory_space<vmem>>
      %dma_start3A_27 = arith.constant 0 : i32
      %dma_start3A_28 = tpu.memref_slice %arg7[%add3A_21, %dma_start3A_27] : memref<80x125xi32, #tpu.memory_space<vmem>> -> memref<1x125xi32, #tpu.memory_space<vmem>>
      %dma_start3A_29 = tpu.memref_squeeze %dma_start3A_28 : memref<1x125xi32, #tpu.memory_space<vmem>> -> memref<125xi32, #tpu.memory_space<vmem>>
      %dma_start3A_30 = arith.constant 0 : i32
      %dma_start3A_31 = arith.constant 0 : i32
      %dma_start3A_32 = tpu.memref_slice %arg2[%dma_start3A_30, %dma_start3A_31] : memref<10000x128xbf16, #tpu.memory_space<hbm>> -> memref<10000x128xbf16, #tpu.memory_space<hbm>>
      tpu.enqueue_indirect_dma source(%dma_start3A_32 : memref<10000x128xbf16, #tpu.memory_space<hbm>>) target(%dma_start3A_26 : memref<125x128xbf16, #tpu.memory_space<vmem>>) offsets(%dma_start3A_29 : memref<125xi32, #tpu.memory_space<vmem>>) semaphore(%arg12 : memref<!tpu.dma_semaphore, #tpu.memory_space<semaphore_mem>>)
      %dma_wait3A = arith.constant 0 : i32
      %dma_wait3A_33 = arith.constant 0 : i32
      %dma_wait3A_34 = arith.constant 0 : i32
      %dma_wait3A_35 = tpu.memref_slice %arg9[%dma_wait3A, %dma_wait3A_33, %dma_wait3A_34] : memref<2x125x128xbf16, #tpu.memory_space<vmem>> -> memref<1x125x128xbf16, #tpu.memory_space<vmem>>
      %dma_wait3A_36 = tpu.memref_squeeze %dma_wait3A_35 : memref<1x125x128xbf16, #tpu.memory_space<vmem>> -> memref<125x128xbf16, #tpu.memory_space<vmem>>
      %dma_wait3A_37 = arith.constant 0 : i32
      %dma_wait3A_38 = tpu.memref_slice %arg7[%mul3A_20, %dma_wait3A_37] : memref<80x125xi32, #tpu.memory_space<vmem>> -> memref<1x125xi32, #tpu.memory_space<vmem>>
      %dma_wait3A_39 = tpu.memref_squeeze %dma_wait3A_38 : memref<1x125xi32, #tpu.memory_space<vmem>> -> memref<125xi32, #tpu.memory_space<vmem>>
      %dma_wait3A_40 = arith.constant 0 : i32
      %dma_wait3A_41 = arith.constant 0 : i32
      %dma_wait3A_42 = tpu.memref_slice %arg2[%dma_wait3A_40, %dma_wait3A_41] : memref<10000x128xbf16, #tpu.memory_space<hbm>> -> memref<10000x128xbf16, #tpu.memory_space<hbm>>
      tpu.wait_indirect_dma semaphore(%arg11 : memref<!tpu.dma_semaphore, #tpu.memory_space<semaphore_mem>>) src(%dma_wait3A_42 : memref<10000x128xbf16, #tpu.memory_space<hbm>>) dst(%dma_wait3A_36 : memref<125x128xbf16, #tpu.memory_space<vmem>>)
      %run_scoped3A = arith.constant 0 : i32
      "tpu.region"() ({
        %run_scoped3A_63 = tpu.sem_alloc : memref<!tpu.dma_semaphore, #tpu.memory_space<semaphore_mem>>
        %dma_start3A_64 = arith.constant 0 : i32
        %dma_start3A_65 = arith.constant 0 : i32
        %dma_start3A_66 = tpu.memref_slice %arg9[%run_scoped3A, %dma_start3A_64, %dma_start3A_65] : memref<2x125x128xbf16, #tpu.memory_space<vmem>> -> memref<1x125x128xbf16, #tpu.memory_space<vmem>>
        %dma_start3A_67 = tpu.memref_squeeze %dma_start3A_66 : memref<1x125x128xbf16, #tpu.memory_space<vmem>> -> memref<125x128xbf16, #tpu.memory_space<vmem>>
        %dma_start3A_68 = arith.constant 0 : i32
        %dma_start3A_69 = tpu.memref_slice %arg8[%mul3A_20, %dma_start3A_68] : memref<80x125xi32, #tpu.memory_space<vmem>> -> memref<1x125xi32, #tpu.memory_space<vmem>>
        %dma_start3A_70 = tpu.memref_squeeze %dma_start3A_69 : memref<1x125xi32, #tpu.memory_space<vmem>> -> memref<125xi32, #tpu.memory_space<vmem>>
        %dma_start3A_71 = arith.constant 0 : i32
        %dma_start3A_72 = arith.constant 0 : i32
        %dma_start3A_73 = tpu.memref_slice %arg10[%dma_start3A_71, %dma_start3A_72] : memref<10000x128xbf16, #tpu.memory_space<vmem_shared>> -> memref<10000x128xbf16, #tpu.memory_space<vmem_shared>>
        tpu.enqueue_indirect_dma source(%dma_start3A_67 : memref<125x128xbf16, #tpu.memory_space<vmem>>) target(%dma_start3A_73 : memref<10000x128xbf16, #tpu.memory_space<vmem_shared>>) offsets(%dma_start3A_70 : memref<125xi32, #tpu.memory_space<vmem>>) semaphore(%run_scoped3A_63 : memref<!tpu.dma_semaphore, #tpu.memory_space<semaphore_mem>>) {add = true}
        %dma_wait3A_74 = arith.constant 0 : i32
        %dma_wait3A_75 = arith.constant 0 : i32
        %dma_wait3A_76 = tpu.memref_slice %arg9[%run_scoped3A, %dma_wait3A_74, %dma_wait3A_75] : memref<2x125x128xbf16, #tpu.memory_space<vmem>> -> memref<1x125x128xbf16, #tpu.memory_space<vmem>>
        %dma_wait3A_77 = tpu.memref_squeeze %dma_wait3A_76 : memref<1x125x128xbf16, #tpu.memory_space<vmem>> -> memref<125x128xbf16, #tpu.memory_space<vmem>>
        %dma_wait3A_78 = arith.constant 0 : i32
        %dma_wait3A_79 = tpu.memref_slice %arg8[%mul3A_20, %dma_wait3A_78] : memref<80x125xi32, #tpu.memory_space<vmem>> -> memref<1x125xi32, #tpu.memory_space<vmem>>
        %dma_wait3A_80 = tpu.memref_squeeze %dma_wait3A_79 : memref<1x125xi32, #tpu.memory_space<vmem>> -> memref<125xi32, #tpu.memory_space<vmem>>
        %dma_wait3A_81 = arith.constant 0 : i32
        %dma_wait3A_82 = arith.constant 0 : i32
        %dma_wait3A_83 = tpu.memref_slice %arg10[%dma_wait3A_81, %dma_wait3A_82] : memref<10000x128xbf16, #tpu.memory_space<vmem_shared>> -> memref<10000x128xbf16, #tpu.memory_space<vmem_shared>>
        tpu.wait_indirect_dma semaphore(%run_scoped3A_63 : memref<!tpu.dma_semaphore, #tpu.memory_space<semaphore_mem>>) src(%dma_wait3A_77 : memref<125x128xbf16, #tpu.memory_space<vmem>>) dst(%dma_wait3A_83 : memref<10000x128xbf16, #tpu.memory_space<vmem_shared>>)
        tpu.yield
      }) : () -> ()
      %add3A_43 = arith.constant 2 : i32
      %add3A_44 = arith.addi %mul3A_20, %add3A_43 : i32
      %lt3A = arith.constant 80 : i32
      %lt3A_45 = arith.cmpi slt, %add3A_44, %lt3A : i32
      %convert_element_type3A = arith.extui %lt3A_45 : i1 to i32
      %cond3A = arith.constant 0 : i32
      %cond3A_46 = arith.cmpi ne, %convert_element_type3A, %cond3A : i32
      scf.if %cond3A_46 {
        %add3A_63 = arith.constant 2 : i32
        %add3A_64 = arith.addi %mul3A_20, %add3A_63 : i32
        %dma_start3A_65 = arith.constant 0 : i32
        %dma_start3A_66 = arith.constant 0 : i32
        %dma_start3A_67 = arith.constant 0 : i32
        %dma_start3A_68 = tpu.memref_slice %arg9[%dma_start3A_65, %dma_start3A_66, %dma_start3A_67] : memref<2x125x128xbf16, #tpu.memory_space<vmem>> -> memref<1x125x128xbf16, #tpu.memory_space<vmem>>
        %dma_start3A_69 = tpu.memref_squeeze %dma_start3A_68 : memref<1x125x128xbf16, #tpu.memory_space<vmem>> -> memref<125x128xbf16, #tpu.memory_space<vmem>>
        %dma_start3A_70 = arith.constant 0 : i32
        %dma_start3A_71 = tpu.memref_slice %arg7[%add3A_64, %dma_start3A_70] : memref<80x125xi32, #tpu.memory_space<vmem>> -> memref<1x125xi32, #tpu.memory_space<vmem>>
        %dma_start3A_72 = tpu.memref_squeeze %dma_start3A_71 : memref<1x125xi32, #tpu.memory_space<vmem>> -> memref<125xi32, #tpu.memory_space<vmem>>
        %dma_start3A_73 = arith.constant 0 : i32
        %dma_start3A_74 = arith.constant 0 : i32
        %dma_start3A_75 = tpu.memref_slice %arg2[%dma_start3A_73, %dma_start3A_74] : memref<10000x128xbf16, #tpu.memory_space<hbm>> -> memref<10000x128xbf16, #tpu.memory_space<hbm>>
        tpu.enqueue_indirect_dma source(%dma_start3A_75 : memref<10000x128xbf16, #tpu.memory_space<hbm>>) target(%dma_start3A_69 : memref<125x128xbf16, #tpu.memory_space<vmem>>) offsets(%dma_start3A_72 : memref<125xi32, #tpu.memory_space<vmem>>) semaphore(%arg11 : memref<!tpu.dma_semaphore, #tpu.memory_space<semaphore_mem>>)
      } else {
      }
      %add3A_47 = arith.constant 1 : i32
      %add3A_48 = arith.addi %mul3A_20, %add3A_47 : i32
      %dma_wait3A_49 = arith.constant 1 : i32
      %dma_wait3A_50 = arith.constant 0 : i32
      %dma_wait3A_51 = arith.constant 0 : i32
      %dma_wait3A_52 = tpu.memref_slice %arg9[%dma_wait3A_49, %dma_wait3A_50, %dma_wait3A_51] : memref<2x125x128xbf16, #tpu.memory_space<vmem>> -> memref<1x125x128xbf16, #tpu.memory_space<vmem>>
      %dma_wait3A_53 = tpu.memref_squeeze %dma_wait3A_52 : memref<1x125x128xbf16, #tpu.memory_space<vmem>> -> memref<125x128xbf16, #tpu.memory_space<vmem>>
      %dma_wait3A_54 = arith.constant 0 : i32
      %dma_wait3A_55 = tpu.memref_slice %arg7[%add3A_48, %dma_wait3A_54] : memref<80x125xi32, #tpu.memory_space<vmem>> -> memref<1x125xi32, #tpu.memory_space<vmem>>
      %dma_wait3A_56 = tpu.memref_squeeze %dma_wait3A_55 : memref<1x125xi32, #tpu.memory_space<vmem>> -> memref<125xi32, #tpu.memory_space<vmem>>
      %dma_wait3A_57 = arith.constant 0 : i32
      %dma_wait3A_58 = arith.constant 0 : i32
      %dma_wait3A_59 = tpu.memref_slice %arg2[%dma_wait3A_57, %dma_wait3A_58] : memref<10000x128xbf16, #tpu.memory_space<hbm>> -> memref<10000x128xbf16, #tpu.memory_space<hbm>>
      tpu.wait_indirect_dma semaphore(%arg12 : memref<!tpu.dma_semaphore, #tpu.memory_space<semaphore_mem>>) src(%dma_wait3A_59 : memref<10000x128xbf16, #tpu.memory_space<hbm>>) dst(%dma_wait3A_53 : memref<125x128xbf16, #tpu.memory_space<vmem>>)
      %add3A_60 = arith.constant 1 : i32
      %add3A_61 = arith.addi %mul3A_20, %add3A_60 : i32
      %run_scoped3A_62 = arith.constant 1 : i32
      "tpu.region"() ({
        %run_scoped3A_63 = tpu.sem_alloc : memref<!tpu.dma_semaphore, #tpu.memory_space<semaphore_mem>>
        %dma_start3A_64 = arith.constant 0 : i32
        %dma_start3A_65 = arith.constant 0 : i32
        %dma_start3A_66 = tpu.memref_slice %arg9[%run_scoped3A_62, %dma_start3A_64, %dma_start3A_65] : memref<2x125x128xbf16, #tpu.memory_space<vmem>> -> memref<1x125x128xbf16, #tpu.memory_space<vmem>>
        %dma_start3A_67 = tpu.memref_squeeze %dma_start3A_66 : memref<1x125x128xbf16, #tpu.memory_space<vmem>> -> memref<125x128xbf16, #tpu.memory_space<vmem>>
        %dma_start3A_68 = arith.constant 0 : i32
        %dma_start3A_69 = tpu.memref_slice %arg8[%add3A_61, %dma_start3A_68] : memref<80x125xi32, #tpu.memory_space<vmem>> -> memref<1x125xi32, #tpu.memory_space<vmem>>
        %dma_start3A_70 = tpu.memref_squeeze %dma_start3A_69 : memref<1x125xi32, #tpu.memory_space<vmem>> -> memref<125xi32, #tpu.memory_space<vmem>>
        %dma_start3A_71 = arith.constant 0 : i32
        %dma_start3A_72 = arith.constant 0 : i32
        %dma_start3A_73 = tpu.memref_slice %arg10[%dma_start3A_71, %dma_start3A_72] : memref<10000x128xbf16, #tpu.memory_space<vmem_shared>> -> memref<10000x128xbf16, #tpu.memory_space<vmem_shared>>
        tpu.enqueue_indirect_dma source(%dma_start3A_67 : memref<125x128xbf16, #tpu.memory_space<vmem>>) target(%dma_start3A_73 : memref<10000x128xbf16, #tpu.memory_space<vmem_shared>>) offsets(%dma_start3A_70 : memref<125xi32, #tpu.memory_space<vmem>>) semaphore(%run_scoped3A_63 : memref<!tpu.dma_semaphore, #tpu.memory_space<semaphore_mem>>) {add = true}
        %dma_wait3A_74 = arith.constant 0 : i32
        %dma_wait3A_75 = arith.constant 0 : i32
        %dma_wait3A_76 = tpu.memref_slice %arg9[%run_scoped3A_62, %dma_wait3A_74, %dma_wait3A_75] : memref<2x125x128xbf16, #tpu.memory_space<vmem>> -> memref<1x125x128xbf16, #tpu.memory_space<vmem>>
        %dma_wait3A_77 = tpu.memref_squeeze %dma_wait3A_76 : memref<1x125x128xbf16, #tpu.memory_space<vmem>> -> memref<125x128xbf16, #tpu.memory_space<vmem>>
        %dma_wait3A_78 = arith.constant 0 : i32
        %dma_wait3A_79 = tpu.memref_slice %arg8[%add3A_61, %dma_wait3A_78] : memref<80x125xi32, #tpu.memory_space<vmem>> -> memref<1x125xi32, #tpu.memory_space<vmem>>
        %dma_wait3A_80 = tpu.memref_squeeze %dma_wait3A_79 : memref<1x125xi32, #tpu.memory_space<vmem>> -> memref<125xi32, #tpu.memory_space<vmem>>
        %dma_wait3A_81 = arith.constant 0 : i32
        %dma_wait3A_82 = arith.constant 0 : i32
        %dma_wait3A_83 = tpu.memref_slice %arg10[%dma_wait3A_81, %dma_wait3A_82] : memref<10000x128xbf16, #tpu.memory_space<vmem_shared>> -> memref<10000x128xbf16, #tpu.memory_space<vmem_shared>>
        tpu.wait_indirect_dma semaphore(%run_scoped3A_63 : memref<!tpu.dma_semaphore, #tpu.memory_space<semaphore_mem>>) src(%dma_wait3A_77 : memref<125x128xbf16, #tpu.memory_space<vmem>>) dst(%dma_wait3A_83 : memref<10000x128xbf16, #tpu.memory_space<vmem_shared>>)
        tpu.yield
      }) : () -> ()
    }
    %scan3A_16 = arith.constant 40 : i32
    %barrier3A_17 = arith.constant 0 : index
    tpu.barrier barrier_id(%barrier3A_17)
    "tpu.region"() ({
      %run_scoped3A = tpu.sem_alloc : memref<!tpu.dma_semaphore, #tpu.memory_space<semaphore_mem>>
      %dma_start3A_18 = arith.constant 0 : i32
      %dma_start3A_19 = tpu.memref_slice %arg6[%arg0, %mul3A_0, %dma_start3A_18] : memref<2x10000x128xbf16, #tpu.memory_space<hbm>> -> memref<1x625x128xbf16, #tpu.memory_space<hbm>>
      %dma_start3A_20 = tpu.memref_squeeze %dma_start3A_19 : memref<1x625x128xbf16, #tpu.memory_space<hbm>> -> memref<625x128xbf16, #tpu.memory_space<hbm>>
      %dma_start3A_21 = arith.constant 0 : i32
      %dma_start3A_22 = tpu.memref_slice %arg10[%mul3A_0, %dma_start3A_21] : memref<10000x128xbf16, #tpu.memory_space<vmem_shared>> -> memref<625x128xbf16, #tpu.memory_space<vmem_shared>>
      tpu.enqueue_dma source(%dma_start3A_22 : memref<625x128xbf16, #tpu.memory_space<vmem_shared>>) target(%dma_start3A_20 : memref<625x128xbf16, #tpu.memory_space<hbm>>) target_semaphore(%run_scoped3A : memref<!tpu.dma_semaphore, #tpu.memory_space<semaphore_mem>>)
      %dma_wait3A = arith.constant 0 : i32
      %dma_wait3A_23 = tpu.memref_slice %arg6[%arg0, %mul3A_0, %dma_wait3A] : memref<2x10000x128xbf16, #tpu.memory_space<hbm>> -> memref<1x625x128xbf16, #tpu.memory_space<hbm>>
      %dma_wait3A_24 = tpu.memref_squeeze %dma_wait3A_23 : memref<1x625x128xbf16, #tpu.memory_space<hbm>> -> memref<625x128xbf16, #tpu.memory_space<hbm>>
      %dma_wait3A_25 = arith.constant 0 : i32
      %dma_wait3A_26 = tpu.memref_slice %arg10[%mul3A_0, %dma_wait3A_25] : memref<10000x128xbf16, #tpu.memory_space<vmem_shared>> -> memref<625x128xbf16, #tpu.memory_space<vmem_shared>>
      tpu.wait_dma2 semaphore(%run_scoped3A : memref<!tpu.dma_semaphore, #tpu.memory_space<semaphore_mem>>) src(%dma_wait3A_26 : memref<625x128xbf16, #tpu.memory_space<vmem_shared>>) dst(%dma_wait3A_24 : memref<625x128xbf16, #tpu.memory_space<hbm>>)
      tpu.yield
    }) : () -> ()
    return
  }
}

module attributes {stable_mosaic.version = 14 : i64} {
  func.func @_tc1_body(%arg0: memref<10000x128xf32, #tpu.memory_space<vmem>>, %arg1: memref<128x128xf32, #tpu.memory_space<vmem>>, %arg2: memref<2x16x10000xf32, #tpu.memory_space<vmem>>, %arg3: memref<10000x128xbf16, #tpu.memory_space<vmem>>, %arg4: memref<10000x1xf32, #tpu.memory_space<vmem>>) attributes {dimension_semantics = [], scalar_prefetch = 0 : i64, scratch_operands = 0 : i64, tpu.core_type = #tpu.core_type<tc>} {
    %get3A = arith.constant 0 : index
    %get3A_0 = arith.constant 0 : index
    %get3A_1 = arith.constant 0 : index
    %get3A_2 = vector.load %arg2[%get3A, %get3A_0, %get3A_1] : memref<2x16x10000xf32, #tpu.memory_space<vmem>>, vector<2x16x10000xf32>
    %reduce_sum3A = arith.constant dense<0.000000e+00> : vector<10000xf32>
    %reduce_sum3A_3 = vector.multi_reduction <add>, %get3A_2, %reduce_sum3A [0, 1] : vector<2x16x10000xf32> to vector<10000xf32>
    %add3A = arith.constant 1.000000e+00 : f32
    %add3A_4 = vector.broadcast %add3A : f32 to vector<10000xf32>
    %add3A_5 = arith.addf %reduce_sum3A_3, %add3A_4 : vector<10000xf32>
    %rsqrt3A = math.rsqrt %add3A_5 : vector<10000xf32>
    %get3A_6 = arith.constant 0 : index
    %get3A_7 = arith.constant 0 : index
    %get3A_8 = vector.load %arg0[%get3A_6, %get3A_7] : memref<10000x128xf32, #tpu.memory_space<vmem>>, vector<10000x128xf32>
    %get3A_9 = arith.constant 0 : index
    %get3A_10 = arith.constant 0 : index
    %get3A_11 = vector.load %arg1[%get3A_9, %get3A_10] : memref<128x128xf32, #tpu.memory_space<vmem>>, vector<128x128xf32>
    %dot_general3A = arith.constant dense<0.000000e+00> : vector<10000x128xf32>
    %dot_general3A_12 = tpu.matmul %get3A_8, %get3A_11, %dot_general3A {dimension_numbers = #tpu.dot_dimension_numbers<[1], [0], [0], [1], [0, 0, 1, 1], [], []>, transpose_lhs_hint = false} : vector<10000x128xf32>, vector<128x128xf32>, vector<10000x128xf32> -> vector<10000x128xf32>
    %broadcast_in_dim3A = vector.shape_cast %rsqrt3A : vector<10000xf32> to vector<10000x1xf32>
    %mul3A = vector.broadcast %broadcast_in_dim3A : vector<10000x1xf32> to vector<10000x128xf32>
    %mul3A_13 = arith.mulf %dot_general3A_12, %mul3A : vector<10000x128xf32>
    %convert_element_type3A = arith.truncf %mul3A_13 : vector<10000x128xf32> to vector<10000x128xbf16>
    %swap3A = arith.constant 0 : index
    %swap3A_14 = arith.constant 0 : index
    %swap3A_15 = vector.load %arg3[%swap3A, %swap3A_14] : memref<10000x128xbf16, #tpu.memory_space<vmem>>, vector<10000x128xbf16>
    tpu.vector_store %arg3[%swap3A, %swap3A_14], %convert_element_type3A {strides = array<i32>} : memref<10000x128xbf16, #tpu.memory_space<vmem>>, vector<10000x128xbf16>,
    %broadcast_in_dim3A_16 = vector.shape_cast %rsqrt3A : vector<10000xf32> to vector<10000x1xf32>
    %swap3A_17 = arith.constant 0 : index
    %swap3A_18 = arith.constant 0 : index
    %swap3A_19 = vector.load %arg4[%swap3A_17, %swap3A_18] : memref<10000x1xf32, #tpu.memory_space<vmem>>, vector<10000x1xf32>
    tpu.vector_store %arg4[%swap3A_17, %swap3A_18], %broadcast_in_dim3A_16 {strides = array<i32>} : memref<10000x1xf32, #tpu.memory_space<vmem>>, vector<10000x1xf32>,
    return
  }
}

module attributes {stable_mosaic.version = 14 : i64} {
  func.func @_tc2_body(%arg0: memref<2x10000x128xbf16, #tpu.memory_space<vmem>>, %arg1: memref<10000x128xbf16, #tpu.memory_space<vmem>>, %arg2: memref<10000x1xf32, #tpu.memory_space<vmem>>, %arg3: memref<1x128xf32, #tpu.memory_space<vmem>>, %arg4: memref<128x16xf32, #tpu.memory_space<vmem>>, %arg5: memref<10000x1xf32, #tpu.memory_space<vmem>>, %arg6: memref<10000x1xf32, #tpu.memory_space<vmem>>) attributes {dimension_semantics = [], scalar_prefetch = 0 : i64, scratch_operands = 0 : i64, tpu.core_type = #tpu.core_type<tc>} {
    %get3A = arith.constant 0 : index
    %get3A_0 = arith.constant 0 : index
    %get3A_1 = vector.load %arg2[%get3A, %get3A_0] : memref<10000x1xf32, #tpu.memory_space<vmem>>, vector<10000x1xf32>
    %get3A_2 = arith.constant 0 : index
    %get3A_3 = arith.constant 0 : index
    %get3A_4 = arith.constant 0 : index
    %get3A_5 = vector.load %arg0[%get3A_2, %get3A_3, %get3A_4] : memref<2x10000x128xbf16, #tpu.memory_space<vmem>>, vector<1x10000x128xbf16>
    %get3A_6 = vector.shape_cast %get3A_5 : vector<1x10000x128xbf16> to vector<10000x128xbf16>
    %convert_element_type3A = arith.extf %get3A_6 : vector<10000x128xbf16> to vector<10000x128xf32>
    %get3A_7 = arith.constant 1 : index
    %get3A_8 = arith.constant 0 : index
    %get3A_9 = arith.constant 0 : index
    %get3A_10 = vector.load %arg0[%get3A_7, %get3A_8, %get3A_9] : memref<2x10000x128xbf16, #tpu.memory_space<vmem>>, vector<1x10000x128xbf16>
    %get3A_11 = vector.shape_cast %get3A_10 : vector<1x10000x128xbf16> to vector<10000x128xbf16>
    %convert_element_type3A_12 = arith.extf %get3A_11 : vector<10000x128xbf16> to vector<10000x128xf32>
    %add3A = arith.addf %convert_element_type3A, %convert_element_type3A_12 : vector<10000x128xf32>
    %get3A_13 = arith.constant 0 : index
    %get3A_14 = arith.constant 0 : index
    %get3A_15 = vector.load %arg1[%get3A_13, %get3A_14] : memref<10000x128xbf16, #tpu.memory_space<vmem>>, vector<10000x128xbf16>
    %convert_element_type3A_16 = arith.extf %get3A_15 : vector<10000x128xbf16> to vector<10000x128xf32>
    %add3A_17 = arith.addf %add3A, %convert_element_type3A_16 : vector<10000x128xf32>
    %mul3A = vector.broadcast %get3A_1 : vector<10000x1xf32> to vector<10000x128xf32>
    %mul3A_18 = arith.mulf %mul3A, %add3A_17 : vector<10000x128xf32>
    %get3A_19 = arith.constant 0 : index
    %get3A_20 = arith.constant 0 : index
    %get3A_21 = vector.load %arg3[%get3A_19, %get3A_20] : memref<1x128xf32, #tpu.memory_space<vmem>>, vector<1x128xf32>
    %add3A_22 = vector.broadcast %get3A_21 : vector<1x128xf32> to vector<10000x128xf32>
    %add3A_23 = arith.addf %mul3A_18, %add3A_22 : vector<10000x128xf32>
    %tanh3A = math.tanh %add3A_23 : vector<10000x128xf32>
    %get3A_24 = arith.constant 0 : index
    %get3A_25 = arith.constant 0 : index
    %get3A_26 = vector.load %arg4[%get3A_24, %get3A_25] : memref<128x16xf32, #tpu.memory_space<vmem>>, vector<128x16xf32>
    %dot_general3A = arith.constant dense<0.000000e+00> : vector<10000x16xf32>
    %dot_general3A_27 = tpu.matmul %tanh3A, %get3A_26, %dot_general3A {dimension_numbers = #tpu.dot_dimension_numbers<[1], [0], [0], [1], [0, 0, 1, 1], [], []>, transpose_lhs_hint = false} : vector<10000x128xf32>, vector<128x16xf32>, vector<10000x16xf32> -> vector<10000x16xf32>
    %mul3A_28 = vector.broadcast %get3A_1 : vector<10000x1xf32> to vector<10000x16xf32>
    %mul3A_29 = arith.mulf %mul3A_28, %dot_general3A_27 : vector<10000x16xf32>
    %slice3A = vector.extract_strided_slice %mul3A_29 {offsets = [0, 0], sizes = [10000, 1], strides = [1, 1]} : vector<10000x16xf32> to vector<10000x1xf32>
    %swap3A = arith.constant 0 : index
    %swap3A_30 = arith.constant 0 : index
    %swap3A_31 = vector.load %arg5[%swap3A, %swap3A_30] : memref<10000x1xf32, #tpu.memory_space<vmem>>, vector<10000x1xf32>
    tpu.vector_store %arg5[%swap3A, %swap3A_30], %slice3A {strides = array<i32>} : memref<10000x1xf32, #tpu.memory_space<vmem>>, vector<10000x1xf32>,
    %slice3A_32 = vector.extract_strided_slice %mul3A_29 {offsets = [0, 1], sizes = [10000, 1], strides = [1, 1]} : vector<10000x16xf32> to vector<10000x1xf32>
    %swap3A_33 = arith.constant 0 : index
    %swap3A_34 = arith.constant 0 : index
    %swap3A_35 = vector.load %arg6[%swap3A_33, %swap3A_34] : memref<10000x1xf32, #tpu.memory_space<vmem>>, vector<10000x1xf32>
    tpu.vector_store %arg6[%swap3A_33, %swap3A_34], %slice3A_32 {strides = array<i32>} : memref<10000x1xf32, #tpu.memory_space<vmem>>, vector<10000x1xf32>,
    return
  }
}

module attributes {stable_mosaic.version = 14 : i64} {
  func.func @_tc3_body(%arg0: memref<2x16x2x10000xf32, #tpu.memory_space<vmem>>, %arg1: memref<10000x1xf32, #tpu.memory_space<vmem>>, %arg2: memref<10000x1xf32, #tpu.memory_space<vmem>>, %arg3: memref<10000x1xf32, #tpu.memory_space<vmem>>, %arg4: memref<1x2xf32, #tpu.memory_space<vmem>>, %arg5: memref<2x1xf32, #tpu.memory_space<vmem>>, %arg6: memref<1x1xf32, #tpu.memory_space<vmem>>, %arg7: memref<10000x1xf32, #tpu.memory_space<vmem>>) attributes {dimension_semantics = [], scalar_prefetch = 0 : i64, scratch_operands = 0 : i64, tpu.core_type = #tpu.core_type<tc>} {
    %get3A = arith.constant 0 : index
    %get3A_0 = arith.constant 0 : index
    %get3A_1 = arith.constant 0 : index
    %get3A_2 = arith.constant 0 : index
    %get3A_3 = vector.load %arg0[%get3A, %get3A_0, %get3A_1, %get3A_2] : memref<2x16x2x10000xf32, #tpu.memory_space<vmem>>, vector<2x16x2x10000xf32>
    %reduce_sum3A = arith.constant dense<0.000000e+00> : vector<2x10000xf32>
    %reduce_sum3A_4 = vector.multi_reduction <add>, %get3A_3, %reduce_sum3A [0, 1] : vector<2x16x2x10000xf32> to vector<2x10000xf32>
    %get3A_5 = arith.constant 0 : index
    %get3A_6 = arith.constant 0 : index
    %get3A_7 = vector.load %arg3[%get3A_5, %get3A_6] : memref<10000x1xf32, #tpu.memory_space<vmem>>, vector<10000x1xf32>
    %squeeze3A = vector.shape_cast %get3A_7 : vector<10000x1xf32> to vector<10000xf32>
    %slice3A = vector.extract_strided_slice %reduce_sum3A_4 {offsets = [0, 0], sizes = [1, 10000], strides = [1, 1]} : vector<2x10000xf32> to vector<1x10000xf32>
    %squeeze3A_8 = vector.shape_cast %slice3A : vector<1x10000xf32> to vector<10000xf32>
    %get3A_9 = arith.constant 0 : index
    %get3A_10 = arith.constant 0 : index
    %get3A_11 = vector.load %arg1[%get3A_9, %get3A_10] : memref<10000x1xf32, #tpu.memory_space<vmem>>, vector<10000x1xf32>
    %squeeze3A_12 = vector.shape_cast %get3A_11 : vector<10000x1xf32> to vector<10000xf32>
    %add3A = arith.addf %squeeze3A_8, %squeeze3A_12 : vector<10000xf32>
    %mul3A = arith.mulf %squeeze3A, %add3A : vector<10000xf32>
    %get3A_13 = arith.constant 0 : index
    %get3A_14 = arith.constant 0 : index
    %get3A_15 = vector.load %arg4[%get3A_13, %get3A_14] : memref<1x2xf32, #tpu.memory_space<vmem>>, vector<1x1xf32>
    %get3A_16 = vector.extract %get3A_15[0, 0] : f32 from vector<1x1xf32>
    %add3A_17 = vector.broadcast %get3A_16 : f32 to vector<10000xf32>
    %add3A_18 = arith.addf %mul3A, %add3A_17 : vector<10000xf32>
    %tanh3A = math.tanh %add3A_18 : vector<10000xf32>
    %slice3A_19 = vector.extract_strided_slice %reduce_sum3A_4 {offsets = [1, 0], sizes = [1, 10000], strides = [1, 1]} : vector<2x10000xf32> to vector<1x10000xf32>
    %squeeze3A_20 = vector.shape_cast %slice3A_19 : vector<1x10000xf32> to vector<10000xf32>
    %get3A_21 = arith.constant 0 : index
    %get3A_22 = arith.constant 0 : index
    %get3A_23 = vector.load %arg2[%get3A_21, %get3A_22] : memref<10000x1xf32, #tpu.memory_space<vmem>>, vector<10000x1xf32>
    %squeeze3A_24 = vector.shape_cast %get3A_23 : vector<10000x1xf32> to vector<10000xf32>
    %add3A_25 = arith.addf %squeeze3A_20, %squeeze3A_24 : vector<10000xf32>
    %mul3A_26 = arith.mulf %squeeze3A, %add3A_25 : vector<10000xf32>
    %get3A_27 = arith.constant 0 : index
    %get3A_28 = arith.constant 1 : index
    %get3A_29 = vector.load %arg4[%get3A_27, %get3A_28] : memref<1x2xf32, #tpu.memory_space<vmem>>, vector<1x1xf32>
    %get3A_30 = vector.extract %get3A_29[0, 0] : f32 from vector<1x1xf32>
    %add3A_31 = vector.broadcast %get3A_30 : f32 to vector<10000xf32>
    %add3A_32 = arith.addf %mul3A_26, %add3A_31 : vector<10000xf32>
    %tanh3A_33 = math.tanh %add3A_32 : vector<10000xf32>
    %get3A_34 = arith.constant 0 : index
    %get3A_35 = arith.constant 0 : index
    %get3A_36 = vector.load %arg5[%get3A_34, %get3A_35] : memref<2x1xf32, #tpu.memory_space<vmem>>, vector<1x1xf32>
    %get3A_37 = vector.extract %get3A_36[0, 0] : f32 from vector<1x1xf32>
    %mul3A_38 = vector.broadcast %get3A_37 : f32 to vector<10000xf32>
    %mul3A_39 = arith.mulf %tanh3A, %mul3A_38 : vector<10000xf32>
    %get3A_40 = arith.constant 1 : index
    %get3A_41 = arith.constant 0 : index
    %get3A_42 = vector.load %arg5[%get3A_40, %get3A_41] : memref<2x1xf32, #tpu.memory_space<vmem>>, vector<1x1xf32>
    %get3A_43 = vector.extract %get3A_42[0, 0] : f32 from vector<1x1xf32>
    %mul3A_44 = vector.broadcast %get3A_43 : f32 to vector<10000xf32>
    %mul3A_45 = arith.mulf %tanh3A_33, %mul3A_44 : vector<10000xf32>
    %add3A_46 = arith.addf %mul3A_39, %mul3A_45 : vector<10000xf32>
    %get3A_47 = arith.constant 0 : index
    %get3A_48 = arith.constant 0 : index
    %get3A_49 = vector.load %arg6[%get3A_47, %get3A_48] : memref<1x1xf32, #tpu.memory_space<vmem>>, vector<1x1xf32>
    %get3A_50 = vector.extract %get3A_49[0, 0] : f32 from vector<1x1xf32>
    %add3A_51 = vector.broadcast %get3A_50 : f32 to vector<10000xf32>
    %add3A_52 = arith.addf %add3A_46, %add3A_51 : vector<10000xf32>
    %logistic3A = arith.negf %add3A_52 : vector<10000xf32>
    %logistic3A_53 = math.exp %logistic3A : vector<10000xf32>
    %logistic3A_54 = arith.constant 1.000000e+00 : f32
    %logistic3A_55 = vector.broadcast %logistic3A_54 : f32 to vector<10000xf32>
    %logistic3A_56 = arith.addf %logistic3A_55, %logistic3A_53 : vector<10000xf32>
    %logistic3A_57 = arith.divf %logistic3A_55, %logistic3A_56 : vector<10000xf32>
    %broadcast_in_dim3A = vector.shape_cast %logistic3A_57 : vector<10000xf32> to vector<10000x1xf32>
    %swap3A = arith.constant 0 : index
    %swap3A_58 = arith.constant 0 : index
    %swap3A_59 = vector.load %arg7[%swap3A, %swap3A_58] : memref<10000x1xf32, #tpu.memory_space<vmem>>, vector<10000x1xf32>
    tpu.vector_store %arg7[%swap3A, %swap3A_58], %broadcast_in_dim3A {strides = array<i32>} : memref<10000x1xf32, #tpu.memory_space<vmem>>, vector<10000x1xf32>,
    return
  }
}

</mosaic_0001>

<sc_bundles>
// kernel: kernel.11.cloned.1.call-start
scs
__scs_entry_jumppad:
0x0: {  	(pc) =	sbr.rel $0x88, $3  }
0x1: {  	(tag) =	ssettag $0x0;
	lr =	simm.s32 $0x1  }
0x2: {  	[smem:$0x3F99] =	sst lr;
	_ =	strace $0xD0000000  }
0x3: {  	_ = 	snop  }
0x4: {  	_ = 	snop  }
0x5: {  	_ = 	snop  }
0x6: {  	_ = 	snop  }
0x7: {  	_ = 	snop  }
__scs_overlays_trampoline_lowered:
0x8: {  	[smem:$0x3FA8] =	sst s0  }
0x9: {  	[smem:$0x3FA9] =	sst s1  }
0xa: {  	[smem:$0x3FAA] =	sst s2  }
0xb: {  	[smem:$0x3FAB] =	sst s3  }
0xc: {  	[smem:$0x3FAC] =	sst s4  }
0xd: {  	[smem:$0x3FAD] =	sst s5  }
0xe: {  	[smem:$0x3FAE] =	sst s6  }
0xf: {  	[smem:$0x3FAF] =	sst s7  }
0x10: {  	[smem:$0x3FB0] =	sst s8  }
0x11: {  	[smem:$0x3FB1] =	sst s9;
	s0 =	simm.s32 @!p0 $0x0  }
0x12: {  	s1 =	sld [smem:$0x3F97];
	s0 =	simm.s32 @p0 $0x1  }
0x13: {  	[smem:$0x3FB2] =	sst s0;
	s0 =	simm.s32 @!p1 $0x0  }
0x14: {  	s2 =	sld [smem:$0x3F96];
	s0 =	simm.s32 @p1 $0x1  }
0x15: {  	[smem:$0x3FB3] =	sst s0;
	s0 =	simm.s32 @!p2 $0x0  }
0x16: {  	s3 =	sld [smem:$0x3FDB];
	s0 =	simm.s32 @p2 $0x1  }
0x17: {  	s4 =	simm.s32 $0x1BF5;
	[smem:$0x3FB5] =	sst s0  }
0x18: {  	s0 =	sld [smem:$0x3F98];
	_ =	swait.ge [sflag:s4], $0x0  }
0x19: {  	s7 =	sld [smem:$0x3F99]  }
0x1a: {  	s8 =	sadd.s32 $0xFFFFE003, lr  }
0x1b: {  	s9 =	sadd.s32 $0xFFFFFEF7, lr;
	s5 =	simm.s32 $0xFFFFFFFF;
	p2 =	slt.u32 s8, $0xFFFFF086  }
0x1c: {  	p1 =	slt.u32 s9, $0xF7A;
	s5 =	simm.s32 @!p2 $0x0  }
0x1d: {  	s5 =	simm.s32 @p1 $0x1;
	p0 =	seq.s32 s7, s2  }
0x1e: {  	s7 =	smul.u32 @!p0 $0xF7A, s2;
	p2 =	seq.s32 @!p0 s5, $0x0  }
0x1f: {  	s9 =	smul.u32 $0xF7A, s1;
	s8 =	simm.s32 @!p0 $0x1BF5;
	p2 =	por !p2, p0  }
0x20: {  	[sflag:s8] =	ssyncset.s32 @!p0 $0xFFFFF086;
	s6 =	sadd.s32 @!p0 s3, s7;
	s7 =	simm.s32 @!p0 $0x108  }
0x21: {  	s3 =	sadd.s32 s3, s9;
	s6 =	sadd.s32 @!p0 $0x88, s6;
	s7 =	simm.s32 @p2 $0x1082  }
0x22: {  	[simem:s7], [sflag:s8] =	dma.local @!p0 [hbm:s6], $0xF7A  }
0x23: {  	s9 =	sor.u32 $0xD0000000, s2;
	s6 =	simm.s32 $0x108;
	_ =	swait.ge @!p0 [sflag:s8], $0x0  }
0x24: {  	s3 =	sadd.s32 $0x88, s3;
	s6 =	simm.s32 @!p1 $0x1082;
	[sflag:s4] =	ssyncset.s32 $0xFFFFF086  }
0x25: {  	[simem:s6], [sflag:s4] =	dma.local [hbm:s3], $0xF7A  }
0x26: {  	[smem:$0x3F99] =	sst s1;
	(tag) =	ssettag s2;
	_ =	strace s9  }
0x27: {  	s1 =	sld [smem:$0x3FA9]  }
0x28: {  	s2 =	sld [smem:$0x3FAA]  }
0x29: {  	s4 =	sld [smem:$0x3FAC]  }
0x2a: {  	p0 =	seq.s32 s5, $0x0;
	s5 =	sld [smem:$0x3FAD]  }
0x2b: {  	s6 =	sld [smem:$0x3FAE]  }
0x2c: {  	s7 =	sld [smem:$0x3FAF]  }
0x2d: {  	s3 =	simm.s32 $0x108;
	s8 =	sld [smem:$0x3FB0]  }
0x2e: {  	s3 =	simm.s32 @!p0 $0x1082;
	s9 =	sld [smem:$0x3FB1]  }
0x2f: {  	lr =	sadd.s32 s0, s3;
	s0 =	sld [smem:$0x3FA8]  }
0x30: {  	s3 =	sld [smem:$0x3FAB]  }
0x31: {  	[smem:$0x3FB4] =	sst s10  }
0x32: {  	s10 =	sld [smem:$0x3FB2];
	_ =	sdelay $0x3  }
0x33: {  	p0 =	seq.s32 s10, $0x1;
	s10 =	sld [smem:$0x3FB4];
	_ =	sdelay $0x3  }
0x34: {  	[smem:$0x3FB4] =	sst s10  }
0x35: {  	s10 =	sld [smem:$0x3FB3];
	_ =	sdelay $0x3  }
0x36: {  	p1 =	seq.s32 s10, $0x1;
	s10 =	sld [smem:$0x3FB4];
	_ =	sdelay $0x3  }
0x37: {  	[smem:$0x3FB4] =	sst s10  }
0x38: {  	s10 =	sld [smem:$0x3FB5]  }
0x39: {  	_ = 	snop;
	(pc) =	sbr.ind lr, $3  }
0x3a: {  	_ = 	snop  }
0x3b: {  	_ = 	snop  }
0x3c: {  	p2 =	seq.s32 s10, $0x1;
	s10 =	sld [smem:$0x3FB4]  }
0x3d: {  	_ =	shalt  }
0x3e: {  	_ =	shalt  }
0x3f: {  	_ =	shalt  }
0x40: {  	_ =	shalt  }
0x41: {  	_ =	shalt  }
0x42: {  	_ =	shalt  }
0x43: {  	_ =	shalt  }
0x44: {  	_ =	shalt  }
0x45: {  	_ =	shalt  }
0x46: {  	_ =	shalt  }
0x47: {  	_ =	shalt  }
0x48: {  	_ =	shalt  }
0x49: {  	_ =	shalt  }
0x4a: {  	_ =	shalt  }
0x4b: {  	_ =	shalt  }
0x4c: {  	_ =	shalt  }
0x4d: {  	_ =	shalt  }
0x4e: {  	_ =	shalt  }
0x4f: {  	_ =	shalt  }
0x50: {  	_ =	shalt  }
0x51: {  	_ =	shalt  }
0x52: {  	_ =	shalt  }
0x53: {  	_ =	shalt  }
0x54: {  	_ =	shalt  }
0x55: {  	_ =	shalt  }
0x56: {  	_ =	shalt  }
0x57: {  	_ =	shalt  }
0x58: {  	_ =	shalt  }
0x59: {  	_ =	shalt  }
0x5a: {  	_ =	shalt  }
0x5b: {  	_ =	shalt  }
0x5c: {  	_ =	shalt  }
0x5d: {  	_ =	shalt  }
0x5e: {  	_ =	shalt  }
0x5f: {  	_ =	shalt  }
0x60: {  	_ =	shalt  }
0x61: {  	_ =	shalt  }
0x62: {  	_ =	shalt  }
0x63: {  	_ =	shalt  }
0x64: {  	_ =	shalt  }
0x65: {  	_ =	shalt  }
0x66: {  	_ =	shalt  }
0x67: {  	_ =	shalt  }
0x68: {  	_ =	shalt  }
0x69: {  	_ =	shalt  }
0x6a: {  	_ =	shalt  }
0x6b: {  	_ =	shalt  }
0x6c: {  	_ =	shalt  }
0x6d: {  	_ =	shalt  }
0x6e: {  	_ =	shalt  }
0x6f: {  	_ =	shalt  }
0x70: {  	_ =	shalt  }
0x71: {  	_ =	shalt  }
0x72: {  	_ =	shalt  }
0x73: {  	_ =	shalt  }
0x74: {  	_ =	shalt  }
0x75: {  	_ =	shalt  }
0x76: {  	_ =	shalt  }
0x77: {  	_ =	shalt  }
0x78: {  	_ =	shalt  }
0x79: {  	_ =	shalt  }
0x7a: {  	_ =	shalt  }
0x7b: {  	_ =	shalt  }
0x7c: {  	_ =	shalt  }
0x7d: {  	_ =	shalt  }
0x7e: {  	_ =	shalt  }
0x7f: {  	_ =	shalt  }
0x80: {  	_ =	shalt  }
0x81: {  	_ =	shalt  }
0x82: {  	_ =	shalt  }
0x83: {  	_ =	shalt  }
0x84: {  	_ =	shalt  }
0x85: {  	_ =	shalt  }
0x86: {  	_ =	shalt  }
0x87: {  	_ =	shalt  }
.Lfunc_end0:
.L_simem_size_0:
called_computation.1_lowered:
.L_overlay_start_0:
0x88: {  	s2 =	sld [smem:$0x3FD9]  }
0x89: {  	s3 =	sld [smem:$0x3FFE];
	_ =	sdelay $0x1  }
0x8a: {  	s1 =	srdreg.scid  }
0x8b: {  	s0 =	sand.u32 $0x1, s1  }
0x8c: {  	s16 =	sshll.u32 s0, $0xA;
	s2 =	sadd.s32 s3, s2  }
0x8d: {  	s2 =	sadd.s32 s2, s16  }
0x8e: {  	[smem:$0x3FC0] =	sst s2  }
0x8f: {  	_ = 	snop  }
0x90: {  	(tm) =	ssettm $0x1  }
0x91: {  	s17 =	sld [smem:$0x3FFB];
	_ =	sdelay $0x3  }
0x92: {  	_ =	strace s17  }
0x93: {  	s2 =	sld [smem:$0x3FFC];
	_ =	sdelay $0x3  }
0x94: {  	_ =	strace s2  }
0x95: {  	s2 =	sld [smem:$0x3FFD];
	_ =	sdelay $0x3  }
0x96: {  	_ =	strace s2  }
0x97: {  	_ =	strace $0x8FFFFFFF  }
0x98: {  	s18 =	sld [smem:$0x3FDB];
	_ =	sdelay $0x1  }
0x99: {  	s19 =	simm.s32 $_scs_section_size  }
0x9a: {  	s4 =	simm.s32 $_size__tile_overlayer_lowered;
	s5 =	simm.s32 $_tile_overlayer_lowered  }
0x9b: {  	s22 =	simm.s32 $0x1BFF;
	s21 =	sshll.u32 s5, $0x1;
	s2 =	sadd.s32 s19, s18  }
0x9c: {  	s6 =	simm.s32 $0x0;
	s20 =	sshll.u32 s4, $0x1;
	s4 =	sadd.s32 s21, s2  }
0x9d: {  	[timem:s6], [sflag:s22] =	dma.local [hbm:s4], s20  }
0x9e: {  	_ =	swait.ge [sflag:s22], s20  }
0x9f: {  	s3 =	ssub.s32 $0x0, s20;
	[sflag:s22] =	ssyncset.done $0x0  }
0xa0: {  	[sflag:s22] =	ssyncadd.s32 s3;
	_ =	sdelay $0x1  }
0xa1: {  	s23 =	simm.s32 $0x1B8B  }
0xa2: {  	_ =	swait.ge [sflag:s23], $0x1  }
0xa3: {  	[sflag:s23] =	ssyncset.done $0x0  }
0xa4: {  	s25 =	simm.s32 $0x1B8E;
	s24 =	sld [smem:$0x3FFE];
	[sflag:s23] =	ssyncadd.s32 $0xFFFFFFFF  }
0xa5: {  	s26 =	simm.s32 $execute0_lowered;
	[smem:$0x3FD2] =	sst s25  }
0xa6: {  	s4 =	sshll.u32 s26, $0x1;
	_ =	strace $0x80000049;
	[dreg:$0x1] =	wrdreg $0xFFFFFFFF  }
0xa7: {  	s28 =	simm.s32 $_size_execute0_lowered;
	s2 =	sadd.s32 s2, s4;
	[dreg:$0x0] =	wrdreg $0x0  }
0xa8: {  	s4 =	sshll.u32 s28, $0x1;
	[dreg:$0x2] =	wrdreg s2  }
0xa9: {  	[dreg:$0x3] =	wrdreg s4  }
0xaa: {  	[dreg:$0x4] =	wrdreg $0xC0  }
0xab: {  	_ =	task [dreg:s6], $0x5FFFF  }
0xac: {  	[dreg:$0x1] =	wrdreg $0xFFFFFFFF  }
0xad: {  	[dreg:$0x0] =	wrdreg $0x60  }
0xae: {  	[dreg:$0x2] =	wrdreg s24  }
0xaf: {  	[dreg:$0x3] =	wrdreg $0x8E800  }
0xb0: {  	[dreg:$0x4] =	wrdreg $0x9  }
0xb1: {  	_ =	task.clear_ibuf [dreg:s6], $0x5FFFF;
	_ =	strace $0x90000049  }
0xb2: {  	s29 =	simm.s32 $0x9;
	_ =	strace $0x8000004B  }
0xb3: {  	_ =	swait.ge [sflag:s29], $0x1  }
0xb4: {  	[sflag:s29] =	ssyncadd.s32 $0xFFFFFFFF  }
0xb5: {  	_ =	strace $0x9000004B  }
0xb6: {  	_ =	sfence  }
0xb7: {  	s30 =	sld [smem:$0x0];
	_ =	sdelay $0x2  }
0xb8: {  	s31 =	sshll.u32 s1, $0xD;
	s1 =	sshrl.u32 s1, $0x2  }
0xb9: {  	s3 =	sand.u32 $0x4000, s31;
	s1 =	sadd.s32 s1, s30  }
0xba: {  	s0 =	sor.u32 s3, s0;
	s1 =	sshll.u32 s1, $0x11  }
0xbb: {  	s0 =	sor.u32 s1, s0  }
0xbc: {  	s0 =	sadd.s32 $0x8F2B, s0  }
0xbd: {  	[sflag:s0] =	ssyncadd.remote.s32 $0x1  }
0xbe: {  	_ =	sfence.sel $0xFFFF  }
0xbf: {  	[dreg:$0x0] =	wrdreg $0xFFFFFFFF;
	(pc) =	sbr.abs _section_cstart, $3  }
0xc0: {  	[dreg:$0x1] =	wrdreg $0xFFFFFFFF  }
0xc1: {  	_ =	task.clear_ibuf [dreg:s6], $0x2FFFF;
	_ =	strace $0x9FFFFFFF  }
0xc2: {  	(tm) =	ssettm $0x7FFFFFFF  }
0xc3: {  	_ =	shalt  }
tec
execute0_lowered:
.L_overlay_start_1:
0x0: {  	(tag) =	ssettag $0x1  }
0x1: {  	s6 =	rddreg [dreg:$0x0]  }
0x2: {  	s2 =	rddreg [dreg:$0x1]  }
0x3: {  	s0 =	srdreg.scid;
	s1 =	rddreg [dreg:$0x2];
	s3 =	simm.s32 $0x0  }
0x4: {  	s14 =	simm.s32 $0x7D;
	s15 =	simm.s32 $0x5000;
	s16 =	simm.s32 $0x6F40  }
0x5: {  	s17 =	simm.s32 $0x1;
	s18 =	simm.s32 $0x2;
	s5 =	sand.u32 $0x1, s0  }
0x6: {  	s19 =	simm.s32 $0x2780;
	s0 =	stileid.u32;
	s4 =	smul.u32 $0x28000, s5  }
0x7: {  	s20 =	simm.s32 $0x4F00;
	s21 =	simm.s32 $0x4F80;
	s7 =	smul.u32 $0x2800, s0  }
0x8: {  	s22 =	simm.s32 $0x0;
	[smem:$0x7FF] =	sst s3;
	s8 =	smul.u32 $0x13880, s0  }
0x9: {  	s9 =	smul.u32 $0x138800, s5;
	_ =	strace $0x8000004A;
	s28 =	ssub.s32 $0x2, s5  }
0xa: {  	s5 =	sadd.s32 $0x33400, s6;
	s31 =	sshll.u32 s0, $0x6;
	s29 =	sshrl.u32 s28, $0x1  }
0xb: {  	s7 =	sadd.s32 s7, s4;
	s4 =	sadd.s32 $0x5BA00, s6;
	s9 =	sadd.s32 s8, s9  }
0xc: {  	s12 =	ssub.s32 s28, s29;
	s30 =	sshrl.u32 s8, $0x1;
	s7 =	sshrl.u32 s7, $0x3  }
0xd: {  	s26 =	sshrl.u32 s9, $0x4;
	s13 =	sadd.s32 s30, s2;
	s10 =	sadd.s32 s7, s6  }
0xe: {  	s11 =	sadd.s32 s26, s6;
	s6 =	sor.u32 $0x1C03, s31;
	s7 =	sadd.s32 $0x1F400, s10  }
0xf: {  	s8 =	sadd.s32 $0x29400, s10;
	s9 =	sadd.s32 $0x6F400, s11;
	s10 =	smax.u32 s12, $0x1  }
0x10: {  	s11 =	sshrl.u32 s13, $0x3;
	s12 =	simm.s32 $0x3;
	s13 =	simm.s32 $0x2800  }
.LBB2_1:
0x11: {  	[spmem:s11], [sflag:s6] =	dma.local [hbm:s5], $0x1388  }
0x12: {  	_ =	swait.ge [sflag:s12], $0x1388  }
0x13: {  	[sflag:s12] =	ssyncset.done $0x0  }
0x14: {  	[sflag:s12] =	ssyncadd.s32 $0xFFFFEC78  }
0x15: {  	[tilespmem:s13], [sflag:$0x3] =	stream.linear.gather [hbm4b:s7+s3], $0x2800, $0x38;
	[tilespmem:$0x12AC0] =	vst v63  }
0x16: {  	_ =	swait.ge [sflag:s12], $0x2800  }
0x17: {  	[sflag:s12] =	ssyncset.done $0x0  }
0x18: {  	[sflag:s12] =	ssyncadd.s32 $0xFFFFD800  }
0x19: {  	[tilespmem:s3], [sflag:$0x3] =	stream.linear.gather [hbm4b:s8+s3], $0x2800, $0x38;
	[tilespmem:$0x12AC0] =	vst v63  }
0x1a: {  	_ =	swait.ge [sflag:s12], $0x2800  }
0x1b: {  	[sflag:s12] =	ssyncset.done $0x0  }
0x1c: {  	[sflag:s12] =	ssyncadd.s32 $0xFFFFD800  }
0x1d: {  	[bflag:$0x0] =	sbarrier.arrive $0xFFFF  }
0x1e: {  	[tilespmem:s15], [sflag:$0x1] =	stream.indirect.gather [hbm4b:s4+s14], $0x40, s3, s14, $0xb8;
	[tilespmem:$0x12AC0] =	vst v63  }
0x1f: {  	s23 =	simm.s32 $0x80  }
0x20: {  	[tilespmem:s16], [sflag:$0x2] =	stream.indirect.gather [hbm4b:s4+s14], $0x40, s23, s14, $0xb8;
	[tilespmem:$0x12AC0] =	vst v63  }
0x21: {  	_ =	swait.ge [sflag:s17], $0x1F40  }
0x22: {  	[sflag:s17] =	ssyncset.done $0x0  }
0x23: {  	s29 =	simm.s32 $0x2800;
	[sflag:s17] =	ssyncadd.s32 $0xFFFFE0C0  }
0x24: {  	[spmem:s2] =	stream.indirect.scatter.add.bf16 [tilespmem:s15], [sflag:$0x3], $0x40, s29, s14, $0xb8;
	[tilespmem:$0x12AC0] =	vst v63  }
0x25: {  	_ =	swait.ge [sflag:s12], $0x1F40  }
0x26: {  	[sflag:s12] =	ssyncset.done $0x0  }
0x27: {  	s30 =	simm.s32 $0x100;
	[sflag:s12] =	ssyncadd.s32 $0xFFFFE0C0  }
0x28: {  	[tilespmem:s15], [sflag:$0x1] =	stream.indirect.gather [hbm4b:s4+s14], $0x40, s30, s14, $0xb8;
	[tilespmem:$0x12AC0] =	vst v63  }
0x29: {  	_ =	swait.ge [sflag:s18], $0x1F40  }
0x2a: {  	[sflag:s18] =	ssyncset.done $0x0  }
0x2b: {  	s31 =	simm.s32 $0x2880;
	[sflag:s18] =	ssyncadd.s32 $0xFFFFE0C0  }
0x2c: {  	[spmem:s2] =	stream.indirect.scatter.add.bf16 [tilespmem:s16], [sflag:$0x3], $0x40, s31, s14, $0xb8;
	[tilespmem:$0x12AC0] =	vst v63  }
0x2d: {  	_ =	swait.ge [sflag:s12], $0x1F40  }
0x2e: {  	s24 =	simm.s32 $0x800;
	s23 =	simm.s32 $0x100;
	[sflag:s12] =	ssyncset.done $0x0  }
.LBB2_2:
0x2f: {  	s25 =	sadd.s32 $0x80, s23  }
0x30: {  	[sflag:s12] =	ssyncadd.s32 $0xFFFFE0C0;
	s26 =	smov.u32 s24;
	s28 =	sadd.s32 $0x400, s24  }
0x31: {  	[tilespmem:s16], [sflag:$0x2] =	stream.indirect.gather [hbm4b:s4+s14], $0x40, s25, s14, $0xb8;
	[tilespmem:$0x12AC0] =	vst v63  }
0x32: {  	p0 =	sne.s32 s24, $0x9800;
	_ =	swait.ge [sflag:s17], $0x1F40  }
0x33: {  	[sflag:s17] =	ssyncset.done $0x0  }
0x34: {  	s24 =	sadd.s32 $0x2800, s23;
	[sflag:s17] =	ssyncadd.s32 $0xFFFFE0C0  }
0x35: {  	[spmem:s2] =	stream.indirect.scatter.add.bf16 [tilespmem:s15], [sflag:$0x3], $0x40, s24, s14, $0xb8;
	[tilespmem:$0x12AC0] =	vst v63  }
0x36: {  	_ =	swait.ge [sflag:s12], $0x1F40  }
0x37: {  	[sflag:s12] =	ssyncset.done $0x0  }
0x38: {  	s24 =	sadd.s32 $0x100, s23;
	[sflag:s12] =	ssyncadd.s32 $0xFFFFE0C0  }
0x39: {  	[tilespmem:s15], [sflag:$0x1] =	stream.indirect.gather [hbm4b:s4+s14], $0x40, s24, s14, $0xb8;
	[tilespmem:$0x12AC0] =	vst v63  }
0x3a: {  	_ =	swait.ge [sflag:s18], $0x1F40  }
.Ltmp0:
0x3b: {  	[sflag:s18] =	ssyncset.done $0x0;
	(pc) =	sbr.rel @p0 .LBB2_2-.Ltmp0, $4  }
0x3c: {  	s23 =	sadd.s32 $0x2880, s23;
	[sflag:s18] =	ssyncadd.s32 $0xFFFFE0C0  }
0x3d: {  	[spmem:s2] =	stream.indirect.scatter.add.bf16 [tilespmem:s16], [sflag:$0x3], $0x40, s23, s14, $0xb8;
	[tilespmem:$0x12AC0] =	vst v63  }
0x3e: {  	_ =	swait.ge [sflag:s12], $0x1F40  }
0x3f: {  	s24 =	smov.u32 s28;
	s23 =	sshra.s32 s26, $0x2;
	[sflag:s12] =	ssyncset.done $0x0  }
0x40: {  	s24 =	sadd.s32 $0x80, s23;
	[sflag:s12] =	ssyncadd.s32 $0xFFFFE0C0  }
0x41: {  	[tilespmem:s16], [sflag:$0x2] =	stream.indirect.gather [hbm4b:s4+s14], $0x40, s24, s14, $0xb8;
	[tilespmem:$0x12AC0] =	vst v63  }
0x42: {  	_ =	swait.ge [sflag:s17], $0x1F40  }
0x43: {  	[sflag:s17] =	ssyncset.done $0x0  }
0x44: {  	s29 =	sadd.s32 $0x2800, s23;
	[sflag:s17] =	ssyncadd.s32 $0xFFFFE0C0  }
0x45: {  	[spmem:s2] =	stream.indirect.scatter.add.bf16 [tilespmem:s15], [sflag:$0x3], $0x40, s29, s14, $0xb8;
	[tilespmem:$0x12AC0] =	vst v63  }
0x46: {  	_ =	swait.ge [sflag:s12], $0x1F40  }
0x47: {  	[sflag:s12] =	ssyncset.done $0x0  }
0x48: {  	s30 =	sadd.s32 $0x100, s23;
	[sflag:s12] =	ssyncadd.s32 $0xFFFFE0C0  }
0x49: {  	[tilespmem:s15], [sflag:$0x1] =	stream.indirect.gather [hbm4b:s4+s14], $0x40, s30, s14, $0xb8;
	[tilespmem:$0x12AC0] =	vst v63  }
0x4a: {  	_ =	swait.ge [sflag:s18], $0x1F40  }
0x4b: {  	[sflag:s18] =	ssyncset.done $0x0  }
0x4c: {  	s31 =	sadd.s32 $0x2880, s23;
	[sflag:s18] =	ssyncadd.s32 $0xFFFFE0C0  }
0x4d: {  	[spmem:s2] =	stream.indirect.scatter.add.bf16 [tilespmem:s16], [sflag:$0x3], $0x40, s31, s14, $0xb8;
	[tilespmem:$0x12AC0] =	vst v63  }
0x4e: {  	_ =	swait.ge [sflag:s12], $0x1F40  }
0x4f: {  	[sflag:s12] =	ssyncset.done $0x0  }
0x50: {  	[sflag:s12] =	ssyncadd.s32 $0xFFFFE0C0  }
0x51: {  	[tilespmem:s16], [sflag:$0x2] =	stream.indirect.gather [hbm4b:s4+s14], $0x40, s19, s14, $0xb8;
	[tilespmem:$0x12AC0] =	vst v63  }
0x52: {  	_ =	swait.ge [sflag:s17], $0x1F40  }
0x53: {  	[sflag:s17] =	ssyncset.done $0x0  }
0x54: {  	[sflag:s17] =	ssyncadd.s32 $0xFFFFE0C0  }
0x55: {  	[spmem:s2] =	stream.indirect.scatter.add.bf16 [tilespmem:s15], [sflag:$0x3], $0x40, s20, s14, $0xb8;
	[tilespmem:$0x12AC0] =	vst v63  }
0x56: {  	_ =	swait.ge [sflag:s12], $0x1F40  }
0x57: {  	[sflag:s12] =	ssyncset.done $0x0  }
0x58: {  	[sflag:s12] =	ssyncadd.s32 $0xFFFFE0C0  }
0x59: {  	_ =	swait.ge [sflag:s18], $0x1F40  }
0x5a: {  	[sflag:s18] =	ssyncset.done $0x0  }
0x5b: {  	[sflag:s18] =	ssyncadd.s32 $0xFFFFE0C0  }
0x5c: {  	[spmem:s2] =	stream.indirect.scatter.add.bf16 [tilespmem:s16], [sflag:$0x3], $0x40, s21, s14, $0xb8;
	[tilespmem:$0x12AC0] =	vst v63  }
0x5d: {  	_ =	swait.ge [sflag:s12], $0x1F40  }
0x5e: {  	s22 =	sadd.s32 $0x1, s22;
	[sflag:s12] =	ssyncset.done $0x0  }
0x5f: {  	p0 =	sne.s32 s22, s10;
	[sflag:s12] =	ssyncadd.s32 $0xFFFFE0C0  }
.Ltmp1:
0x60: {  	[bflag:$0x0] =	sbarrier.arrive $0xFFFF;
	(pc) =	sbr.rel @p0 .LBB2_1-.Ltmp1, $4  }
0x61: {  	[hbm:s9], [sflag:s6] =	dma.local [spmem:s11], $0x1388  }
0x62: {  	_ =	swait.ge [sflag:s12], $0x1388  }
0x63: {  	[sflag:s12] =	ssyncset.done $0x0  }
0x64: {  	[sflag:s12] =	ssyncadd.s32 $0xFFFFEC78  }
0x65: {  	_ =	sfence.sel $0x180000  }
0x66: {  	[bflag:$0x0] =	sbarrier.arrive $0xFFFF  }
0x67: {  	p0 =	sne.s32 s0, $0x0;
	_ =	strace $0x9000004A  }
0x68: {  	s0 =	sadd.s32 @!p0 $0x100000, s1;
	[bflag:$0x2] =	sbarrier.arrive $0xFFFF  }
0x69: {  	[sflag:s0] =	ssyncadd.tile.s32 @!p0 $0x1;
	_ =	shalt  }
.Lfunc_end2:
_tile_overlayer_lowered:
.L_overlay_start_2:
0x6a: {  	(tag) =	ssettag $0x2  }
0x6b: {  	s0 =	rddreg [dreg:$0x0];
	s2 =	stileid.u32  }
0x6c: {  	s1 =	rddreg [dreg:$0x1];
	p0 =	sne.s32 s2, $0x0  }
0x6d: {  	s3 =	rddreg [dreg:$0x2];
	[bflag:$0x3] =	sbarrier.arrive $0xFFFF;
	s2 =	simm.s32 @!p0 $0x1C03  }
0x6e: {  	[timem:s3], [sflag:s2] =	dma.local @!p0 [hbm:s0], s1  }
0x6f: {  	s0 =	simm.s32 @!p0 $0x3  }
0x70: {  	_ =	swait.ge @!p0 [sflag:s0], s1  }
0x71: {  	s1 =	ssub.s32 @!p0 $0x0, s1;
	[sflag:s0] =	ssyncset.done @!p0 $0x0  }
0x72: {  	[sflag:s0] =	ssyncadd.s32 @!p0 s1  }
0x73: {  	[bflag:$0x3] =	sbarrier.arrive $0xFFFF  }
0x74: {  	_ =	shalt  }

// kernel: kernel.14.cloned.1.call-start
scs
__scs_entry_jumppad:
0x0: {  	(pc) =	sbr.rel $0x88, $3  }
0x1: {  	(tag) =	ssettag $0x0;
	lr =	simm.s32 $0x1  }
0x2: {  	[smem:$0x3F99] =	sst lr;
	_ =	strace $0xD0000000  }
0x3: {  	_ = 	snop  }
0x4: {  	_ = 	snop  }
0x5: {  	_ = 	snop  }
0x6: {  	_ = 	snop  }
0x7: {  	_ = 	snop  }
__scs_overlays_trampoline_lowered:
0x8: {  	[smem:$0x3FA8] =	sst s0  }
0x9: {  	[smem:$0x3FA9] =	sst s1  }
0xa: {  	[smem:$0x3FAA] =	sst s2  }
0xb: {  	[smem:$0x3FAB] =	sst s3  }
0xc: {  	[smem:$0x3FAC] =	sst s4  }
0xd: {  	[smem:$0x3FAD] =	sst s5  }
0xe: {  	[smem:$0x3FAE] =	sst s6  }
0xf: {  	[smem:$0x3FAF] =	sst s7  }
0x10: {  	[smem:$0x3FB0] =	sst s8  }
0x11: {  	[smem:$0x3FB1] =	sst s9;
	s0 =	simm.s32 @!p0 $0x0  }
0x12: {  	s1 =	sld [smem:$0x3F97];
	s0 =	simm.s32 @p0 $0x1  }
0x13: {  	[smem:$0x3FB2] =	sst s0;
	s0 =	simm.s32 @!p1 $0x0  }
0x14: {  	s2 =	sld [smem:$0x3F96];
	s0 =	simm.s32 @p1 $0x1  }
0x15: {  	[smem:$0x3FB3] =	sst s0;
	s0 =	simm.s32 @!p2 $0x0  }
0x16: {  	s3 =	sld [smem:$0x3FDB];
	s0 =	simm.s32 @p2 $0x1  }
0x17: {  	s4 =	simm.s32 $0x1BF5;
	[smem:$0x3FB5] =	sst s0  }
0x18: {  	s0 =	sld [smem:$0x3F98];
	_ =	swait.ge [sflag:s4], $0x0  }
0x19: {  	s7 =	sld [smem:$0x3F99]  }
0x1a: {  	s8 =	sadd.s32 $0xFFFFE003, lr  }
0x1b: {  	s9 =	sadd.s32 $0xFFFFFEF7, lr;
	s5 =	simm.s32 $0xFFFFFFFF;
	p2 =	slt.u32 s8, $0xFFFFF086  }
0x1c: {  	p1 =	slt.u32 s9, $0xF7A;
	s5 =	simm.s32 @!p2 $0x0  }
0x1d: {  	s5 =	simm.s32 @p1 $0x1;
	p0 =	seq.s32 s7, s2  }
0x1e: {  	s7 =	smul.u32 @!p0 $0xF7A, s2;
	p2 =	seq.s32 @!p0 s5, $0x0  }
0x1f: {  	s9 =	smul.u32 $0xF7A, s1;
	s8 =	simm.s32 @!p0 $0x1BF5;
	p2 =	por !p2, p0  }
0x20: {  	[sflag:s8] =	ssyncset.s32 @!p0 $0xFFFFF086;
	s6 =	sadd.s32 @!p0 s3, s7;
	s7 =	simm.s32 @!p0 $0x108  }
0x21: {  	s3 =	sadd.s32 s3, s9;
	s6 =	sadd.s32 @!p0 $0x88, s6;
	s7 =	simm.s32 @p2 $0x1082  }
0x22: {  	[simem:s7], [sflag:s8] =	dma.local @!p0 [hbm:s6], $0xF7A  }
0x23: {  	s9 =	sor.u32 $0xD0000000, s2;
	s6 =	simm.s32 $0x108;
	_ =	swait.ge @!p0 [sflag:s8], $0x0  }
0x24: {  	s3 =	sadd.s32 $0x88, s3;
	s6 =	simm.s32 @!p1 $0x1082;
	[sflag:s4] =	ssyncset.s32 $0xFFFFF086  }
0x25: {  	[simem:s6], [sflag:s4] =	dma.local [hbm:s3], $0xF7A  }
0x26: {  	[smem:$0x3F99] =	sst s1;
	(tag) =	ssettag s2;
	_ =	strace s9  }
0x27: {  	s1 =	sld [smem:$0x3FA9]  }
0x28: {  	s2 =	sld [smem:$0x3FAA]  }
0x29: {  	s4 =	sld [smem:$0x3FAC]  }
0x2a: {  	p0 =	seq.s32 s5, $0x0;
	s5 =	sld [smem:$0x3FAD]  }
0x2b: {  	s6 =	sld [smem:$0x3FAE]  }
0x2c: {  	s7 =	sld [smem:$0x3FAF]  }
0x2d: {  	s3 =	simm.s32 $0x108;
	s8 =	sld [smem:$0x3FB0]  }
0x2e: {  	s3 =	simm.s32 @!p0 $0x1082;
	s9 =	sld [smem:$0x3FB1]  }
0x2f: {  	lr =	sadd.s32 s0, s3;
	s0 =	sld [smem:$0x3FA8]  }
0x30: {  	s3 =	sld [smem:$0x3FAB]  }
0x31: {  	[smem:$0x3FB4] =	sst s10  }
0x32: {  	s10 =	sld [smem:$0x3FB2];
	_ =	sdelay $0x3  }
0x33: {  	p0 =	seq.s32 s10, $0x1;
	s10 =	sld [smem:$0x3FB4];
	_ =	sdelay $0x3  }
0x34: {  	[smem:$0x3FB4] =	sst s10  }
0x35: {  	s10 =	sld [smem:$0x3FB3];
	_ =	sdelay $0x3  }
0x36: {  	p1 =	seq.s32 s10, $0x1;
	s10 =	sld [smem:$0x3FB4];
	_ =	sdelay $0x3  }
0x37: {  	[smem:$0x3FB4] =	sst s10  }
0x38: {  	s10 =	sld [smem:$0x3FB5]  }
0x39: {  	_ = 	snop;
	(pc) =	sbr.ind lr, $3  }
0x3a: {  	_ = 	snop  }
0x3b: {  	_ = 	snop  }
0x3c: {  	p2 =	seq.s32 s10, $0x1;
	s10 =	sld [smem:$0x3FB4]  }
0x3d: {  	_ =	shalt  }
0x3e: {  	_ =	shalt  }
0x3f: {  	_ =	shalt  }
0x40: {  	_ =	shalt  }
0x41: {  	_ =	shalt  }
0x42: {  	_ =	shalt  }
0x43: {  	_ =	shalt  }
0x44: {  	_ =	shalt  }
0x45: {  	_ =	shalt  }
0x46: {  	_ =	shalt  }
0x47: {  	_ =	shalt  }
0x48: {  	_ =	shalt  }
0x49: {  	_ =	shalt  }
0x4a: {  	_ =	shalt  }
0x4b: {  	_ =	shalt  }
0x4c: {  	_ =	shalt  }
0x4d: {  	_ =	shalt  }
0x4e: {  	_ =	shalt  }
0x4f: {  	_ =	shalt  }
0x50: {  	_ =	shalt  }
0x51: {  	_ =	shalt  }
0x52: {  	_ =	shalt  }
0x53: {  	_ =	shalt  }
0x54: {  	_ =	shalt  }
0x55: {  	_ =	shalt  }
0x56: {  	_ =	shalt  }
0x57: {  	_ =	shalt  }
0x58: {  	_ =	shalt  }
0x59: {  	_ =	shalt  }
0x5a: {  	_ =	shalt  }
0x5b: {  	_ =	shalt  }
0x5c: {  	_ =	shalt  }
0x5d: {  	_ =	shalt  }
0x5e: {  	_ =	shalt  }
0x5f: {  	_ =	shalt  }
0x60: {  	_ =	shalt  }
0x61: {  	_ =	shalt  }
0x62: {  	_ =	shalt  }
0x63: {  	_ =	shalt  }
0x64: {  	_ =	shalt  }
0x65: {  	_ =	shalt  }
0x66: {  	_ =	shalt  }
0x67: {  	_ =	shalt  }
0x68: {  	_ =	shalt  }
0x69: {  	_ =	shalt  }
0x6a: {  	_ =	shalt  }
0x6b: {  	_ =	shalt  }
0x6c: {  	_ =	shalt  }
0x6d: {  	_ =	shalt  }
0x6e: {  	_ =	shalt  }
0x6f: {  	_ =	shalt  }
0x70: {  	_ =	shalt  }
0x71: {  	_ =	shalt  }
0x72: {  	_ =	shalt  }
0x73: {  	_ =	shalt  }
0x74: {  	_ =	shalt  }
0x75: {  	_ =	shalt  }
0x76: {  	_ =	shalt  }
0x77: {  	_ =	shalt  }
0x78: {  	_ =	shalt  }
0x79: {  	_ =	shalt  }
0x7a: {  	_ =	shalt  }
0x7b: {  	_ =	shalt  }
0x7c: {  	_ =	shalt  }
0x7d: {  	_ =	shalt  }
0x7e: {  	_ =	shalt  }
0x7f: {  	_ =	shalt  }
0x80: {  	_ =	shalt  }
0x81: {  	_ =	shalt  }
0x82: {  	_ =	shalt  }
0x83: {  	_ =	shalt  }
0x84: {  	_ =	shalt  }
0x85: {  	_ =	shalt  }
0x86: {  	_ =	shalt  }
0x87: {  	_ =	shalt  }
.Lfunc_end0:
.L_simem_size_0:
called_computation.2_lowered:
.L_overlay_start_0:
0x88: {  	s2 =	sld [smem:$0x3FD9]  }
0x89: {  	s3 =	sld [smem:$0x3FFE];
	_ =	sdelay $0x1  }
0x8a: {  	s1 =	srdreg.scid  }
0x8b: {  	s0 =	sand.u32 $0x1, s1  }
0x8c: {  	s16 =	sshll.u32 s0, $0xA;
	s2 =	sadd.s32 s3, s2  }
0x8d: {  	s2 =	sadd.s32 s2, s16  }
0x8e: {  	[smem:$0x3FC0] =	sst s2  }
0x8f: {  	_ = 	snop  }
0x90: {  	(tm) =	ssettm $0x1  }
0x91: {  	s17 =	sld [smem:$0x3FFB];
	_ =	sdelay $0x3  }
0x92: {  	_ =	strace s17  }
0x93: {  	s2 =	sld [smem:$0x3FFC];
	_ =	sdelay $0x3  }
0x94: {  	_ =	strace s2  }
0x95: {  	s2 =	sld [smem:$0x3FFD];
	_ =	sdelay $0x3  }
0x96: {  	_ =	strace s2  }
0x97: {  	_ =	strace $0x8FFFFFFF  }
0x98: {  	s18 =	sld [smem:$0x3FDB];
	_ =	sdelay $0x1  }
0x99: {  	s19 =	simm.s32 $_scs_section_size  }
0x9a: {  	s4 =	simm.s32 $_size__tile_overlayer_lowered;
	s5 =	simm.s32 $_tile_overlayer_lowered  }
0x9b: {  	s22 =	simm.s32 $0x1BFF;
	s21 =	sshll.u32 s5, $0x1;
	s2 =	sadd.s32 s19, s18  }
0x9c: {  	s6 =	simm.s32 $0x0;
	s20 =	sshll.u32 s4, $0x1;
	s4 =	sadd.s32 s21, s2  }
0x9d: {  	[timem:s6], [sflag:s22] =	dma.local [hbm:s4], s20  }
0x9e: {  	_ =	swait.ge [sflag:s22], s20  }
0x9f: {  	s3 =	ssub.s32 $0x0, s20;
	[sflag:s22] =	ssyncset.done $0x0  }
0xa0: {  	[sflag:s22] =	ssyncadd.s32 s3;
	_ =	sdelay $0x1  }
0xa1: {  	s23 =	simm.s32 $0x1B8B  }
0xa2: {  	_ =	swait.ge [sflag:s23], $0x1  }
0xa3: {  	[sflag:s23] =	ssyncset.done $0x0  }
0xa4: {  	s25 =	simm.s32 $0x1B8E;
	s24 =	sld [smem:$0x3FFE];
	[sflag:s23] =	ssyncadd.s32 $0xFFFFFFFF  }
0xa5: {  	s26 =	simm.s32 $execute0_lowered;
	[smem:$0x3FD2] =	sst s25  }
0xa6: {  	s4 =	sshll.u32 s26, $0x1;
	_ =	strace $0x8000004C;
	[dreg:$0x1] =	wrdreg $0xFFFFFFFF  }
0xa7: {  	s28 =	simm.s32 $_size_execute0_lowered;
	s2 =	sadd.s32 s2, s4;
	[dreg:$0x0] =	wrdreg $0x0  }
0xa8: {  	s4 =	sshll.u32 s28, $0x1;
	[dreg:$0x2] =	wrdreg s2  }
0xa9: {  	[dreg:$0x3] =	wrdreg s4  }
0xaa: {  	[dreg:$0x4] =	wrdreg $0xC0  }
0xab: {  	_ =	task [dreg:s6], $0x5FFFF  }
0xac: {  	[dreg:$0x1] =	wrdreg $0xFFFFFFFF  }
0xad: {  	[dreg:$0x0] =	wrdreg $0x60  }
0xae: {  	[dreg:$0x2] =	wrdreg s24  }
0xaf: {  	[dreg:$0x3] =	wrdreg $0x9  }
0xb0: {  	_ =	task.clear_ibuf [dreg:s6], $0x4FFFF;
	_ =	strace $0x9000004C  }
0xb1: {  	s29 =	simm.s32 $0x9;
	_ =	strace $0x8000004E  }
0xb2: {  	_ =	swait.ge [sflag:s29], $0x1  }
0xb3: {  	[sflag:s29] =	ssyncadd.s32 $0xFFFFFFFF  }
0xb4: {  	_ =	strace $0x9000004E  }
0xb5: {  	_ =	sfence  }
0xb6: {  	s30 =	sld [smem:$0x0];
	_ =	sdelay $0x2  }
0xb7: {  	s31 =	sshll.u32 s1, $0xD;
	s1 =	sshrl.u32 s1, $0x2  }
0xb8: {  	s3 =	sand.u32 $0x4000, s31;
	s1 =	sadd.s32 s1, s30  }
0xb9: {  	s0 =	sor.u32 s3, s0;
	s1 =	sshll.u32 s1, $0x11  }
0xba: {  	s0 =	sor.u32 s1, s0  }
0xbb: {  	s0 =	sadd.s32 $0x8F2B, s0  }
0xbc: {  	[sflag:s0] =	ssyncadd.remote.s32 $0x1  }
0xbd: {  	_ =	sfence.sel $0xFFFF  }
0xbe: {  	[dreg:$0x0] =	wrdreg $0xFFFFFFFF;
	(pc) =	sbr.abs _section_cstart, $3  }
0xbf: {  	[dreg:$0x1] =	wrdreg $0xFFFFFFFF  }
0xc0: {  	_ =	task.clear_ibuf [dreg:s6], $0x2FFFF;
	_ =	strace $0x9FFFFFFF  }
0xc1: {  	(tm) =	ssettm $0x7FFFFFFF  }
tec
execute0_lowered:
.L_overlay_start_1:
0x0: {  	(tag) =	ssettag $0x1  }
0x1: {  	s0 =	srdreg.scid  }
0x2: {  	s6 =	rddreg [dreg:$0x0];
	s1 =	stileid.u32  }
0x3: {  	s2 =	simm.s32 $0x0;
	s12 =	simm.s32 $0x1;
	s13 =	simm.s32 $0xC350  }
0x4: {  	s14 =	simm.s32 $0x2710;
	s15 =	simm.s32 $0x4E20;
	s16 =	simm.s32 $0x7530  }
0x5: {  	s5 =	sand.u32 $0x1, s0;
	s0 =	rddreg [dreg:$0x1];
	s8 =	smul.u32 $0x2710, s1  }
0x6: {  	s17 =	simm.s32 $0x0;
	[smem:$0x7FF] =	sst s2;
	s10 =	smul.u32 $0x4E20, s1  }
0x7: {  	s3 =	sadd.s32 $0x15C00, s6;
	s4 =	sadd.s32 $0x15600, s6;
	s7 =	smul.u32 $0x27100, s5  }
0x8: {  	s9 =	smul.u32 $0x4E200, s5;
	_ =	strace $0x8000004D;
	s30 =	ssub.s32 $0x2, s5  }
0x9: {  	s5 =	sadd.s32 $0x15000, s6;
	s31 =	sshrl.u32 s30, $0x1;
	s7 =	sadd.s32 s8, s7  }
0xa: {  	s29 =	sadd.s32 s10, s9;
	s10 =	ssub.s32 s30, s31;
	s7 =	sshrl.u32 s7, $0x3  }
0xb: {  	s8 =	sshrl.u32 s29, $0x3;
	s10 =	smax.u32 s10, $0x1;
	s7 =	sadd.s32 s7, s6  }
0xc: {  	s11 =	sadd.s32 s8, s6;
	s6 =	sadd.s32 $0xB200, s7;
	s7 =	sadd.s32 $0x1400, s7  }
0xd: {  	s8 =	sadd.s32 $0x16200, s11;
	s9 =	sadd.s32 $0x166E2, s11;
	s11 =	simm.s32 $0x9C40  }
.LBB2_1:
0xe: {  	[tilespmem:s11], [sflag:$0x1] =	stream.linear.gather [hbm4b:s5+s2], $0x2710, $0x38;
	[tilespmem:$0xEA60] =	vst v63  }
0xf: {  	_ =	swait.ge [sflag:s12], $0x2710  }
0x10: {  	[sflag:s12] =	ssyncset.done $0x0  }
0x11: {  	[sflag:s12] =	ssyncadd.s32 $0xFFFFD8F0  }
0x12: {  	[tilespmem:s13], [sflag:$0x1] =	stream.linear.gather [hbm4b:s5+s2], $0x2710, $0x38;
	[tilespmem:$0xEA60] =	vst v63  }
0x13: {  	_ =	swait.ge [sflag:s12], $0x2710  }
0x14: {  	[sflag:s12] =	ssyncset.done $0x0  }
0x15: {  	[sflag:s12] =	ssyncadd.s32 $0xFFFFD8F0  }
0x16: {  	[tilespmem:s2], [sflag:$0x1] =	stream.linear.gather [hbm4b:s3+s2], $0x2710, $0x38;
	[tilespmem:$0xEA60] =	vst v63  }
0x17: {  	_ =	swait.ge [sflag:s12], $0x2710  }
0x18: {  	[sflag:s12] =	ssyncset.done $0x0  }
0x19: {  	[sflag:s12] =	ssyncadd.s32 $0xFFFFD8F0  }
0x1a: {  	[tilespmem:s14], [sflag:$0x1] =	stream.linear.gather [hbm4b:s4+s2], $0x2710, $0x38;
	[tilespmem:$0xEA60] =	vst v63  }
0x1b: {  	_ =	swait.ge [sflag:s12], $0x2710  }
0x1c: {  	[sflag:s12] =	ssyncset.done $0x0  }
0x1d: {  	[sflag:s12] =	ssyncadd.s32 $0xFFFFD8F0  }
0x1e: {  	[tilespmem:s15], [sflag:$0x1] =	stream.linear.gather [hbm4b:s6+s2], $0x2710, $0x38;
	[tilespmem:$0xEA60] =	vst v63  }
0x1f: {  	_ =	swait.ge [sflag:s12], $0x2710  }
0x20: {  	[sflag:s12] =	ssyncset.done $0x0  }
0x21: {  	[sflag:s12] =	ssyncadd.s32 $0xFFFFD8F0  }
0x22: {  	[tilespmem:s16], [sflag:$0x1] =	stream.linear.gather [hbm4b:s7+s2], $0x2710, $0x38;
	[tilespmem:$0xEA60] =	vst v63  }
0x23: {  	_ =	swait.ge [sflag:s12], $0x2710  }
0x24: {  	[sflag:s12] =	ssyncset.done $0x0  }
0x25: {  	s18 =	simm.s32 $0x0;
	[sflag:s12] =	ssyncadd.s32 $0xFFFFD8F0  }
0x26: {  	v1 =	vld [tilespmem:s18+$0x4E20];
	_ =	sdelay $0x4  }
0x27: {  	v0 =	vld [tilespmem:s18+$0x7530];
	_ =	sdelay $0x2  }
0x28: {  	v2 =	vld.idx.msk [tilespmem:v1+s2+$0x0], $0xffff;
	_ =	sdelay $0x4  }
0x29: {  	[tilespmem:v0+s11+$0x0] =	vst.idx.add.f32.msk $0xffff, v2  }
0x2a: {  	s19 =	simm.s32 $0x80;
	s18 =	simm.s32 $0x40;
	v1 =	vld.idx.msk [tilespmem:v1+s14+$0x0], $0xffff  }
.LBB2_2:
0x2b: {  	_ =	sdelay $0x2  }
0x2c: {  	p0 =	sne.s32 s19, $0x9C00  }
0x2d: {  	s20 =	sshra.s32 s18, $0x2;
	s18 =	smov.u32 s19;
	s19 =	sadd.s32 $0x40, s19;
	[tilespmem:v0+s13+$0x0] =	vst.idx.add.f32.msk $0xffff, v1  }
0x2e: {  	v1 =	vld [tilespmem:s20+$0x4E20];
	_ =	sdelay $0x5  }
0x2f: {  	v0 =	vld [tilespmem:s20+$0x7530];
	_ =	sdelay $0x1  }
0x30: {  	v2 =	vld.idx.msk [tilespmem:v1+s2+$0x0], $0xffff;
	_ =	sdelay $0x2  }
.Ltmp0:
0x31: {  	(pc) =	sbr.rel @p0 .LBB2_2-.Ltmp0, $3  }
0x32: {  	_ =	sdelay $0x1  }
0x33: {  	[tilespmem:v0+s11+$0x0] =	vst.idx.add.f32.msk $0xffff, v2  }
0x34: {  	v1 =	vld.idx.msk [tilespmem:v1+s14+$0x0], $0xffff  }
0x35: {  	_ =	sdelay $0x3  }
0x36: {  	s18 =	sshra.s32 s18, $0x2;
	[tilespmem:v0+s13+$0x0] =	vst.idx.add.f32.msk $0xffff, v1  }
0x37: {  	v0 =	vld [tilespmem:s18+$0x4E20];
	_ =	sdelay $0x4  }
0x38: {  	v1 =	vld [tilespmem:s18+$0x7530];
	_ =	sdelay $0x2  }
0x39: {  	v2 =	vld.idx.msk [tilespmem:v0+s2+$0x0], $0xffff;
	_ =	sdelay $0x4  }
0x3a: {  	[tilespmem:v1+s11+$0x0] =	vst.idx.add.f32.msk $0xffff, v2  }
0x3b: {  	v0 =	vld.idx.msk [tilespmem:v0+s14+$0x0], $0xffff;
	_ =	sdelay $0x4  }
0x3c: {  	[tilespmem:v1+s13+$0x0] =	vst.idx.add.f32.msk $0xffff, v0  }
0x3d: {  	[hbm4b:s8+s2] =	stream.linear.scatter [tilespmem:s11], [sflag:$0x1], $0x2710, $0x38;
	[tilespmem:$0xEA60] =	vst v63  }
0x3e: {  	s17 =	sadd.s32 $0x1, s17;
	_ =	swait.ge [sflag:s12], $0x2710  }
0x3f: {  	p0 =	sne.s32 s17, s10;
	[sflag:s12] =	ssyncset.done $0x0  }
.Ltmp1:
0x40: {  	[sflag:s12] =	ssyncadd.s32 $0xFFFFD8F0;
	(pc) =	sbr.rel @p0 .LBB2_1-.Ltmp1, $4  }
0x41: {  	[hbm4b:s9+s2] =	stream.linear.scatter [tilespmem:s13], [sflag:$0x1], $0x2710, $0x38;
	[tilespmem:$0xEA60] =	vst v63  }
0x42: {  	_ =	swait.ge [sflag:s12], $0x2710  }
0x43: {  	[sflag:s12] =	ssyncset.done $0x0  }
0x44: {  	[sflag:s12] =	ssyncadd.s32 $0xFFFFD8F0  }
0x45: {  	_ =	sfence.sel $0x180000  }
0x46: {  	[bflag:$0x0] =	sbarrier.arrive $0xFFFF  }
0x47: {  	p0 =	sne.s32 s1, $0x0;
	_ =	strace $0x9000004D  }
0x48: {  	s0 =	sadd.s32 @!p0 $0x100000, s0;
	[bflag:$0x2] =	sbarrier.arrive $0xFFFF  }
0x49: {  	[sflag:s0] =	ssyncadd.tile.s32 @!p0 $0x1;
	_ =	shalt  }
.Lfunc_end2:
_tile_overlayer_lowered:
.L_overlay_start_2:
0x4a: {  	(tag) =	ssettag $0x2  }
0x4b: {  	s0 =	rddreg [dreg:$0x0];
	s2 =	stileid.u32  }
0x4c: {  	s1 =	rddreg [dreg:$0x1];
	p0 =	sne.s32 s2, $0x0  }
0x4d: {  	s3 =	rddreg [dreg:$0x2];
	[bflag:$0x3] =	sbarrier.arrive $0xFFFF;
	s2 =	simm.s32 @!p0 $0x1C01  }
0x4e: {  	[timem:s3], [sflag:s2] =	dma.local @!p0 [hbm:s0], s1  }
0x4f: {  	s0 =	simm.s32 @!p0 $0x1  }
0x50: {  	_ =	swait.ge @!p0 [sflag:s0], s1  }
0x51: {  	s1 =	ssub.s32 @!p0 $0x0, s1;
	[sflag:s0] =	ssyncset.done @!p0 $0x0  }
0x52: {  	[sflag:s0] =	ssyncadd.s32 @!p0 s1  }
0x53: {  	[bflag:$0x3] =	sbarrier.arrive $0xFFFF  }
0x54: {  	_ =	shalt  }

// kernel: kernel.8.cloned.1.call-start
scs
__scs_entry_jumppad:
0x0: {  	(pc) =	sbr.rel $0x88, $3  }
0x1: {  	(tag) =	ssettag $0x0;
	lr =	simm.s32 $0x1  }
0x2: {  	[smem:$0x3F99] =	sst lr;
	_ =	strace $0xD0000000  }
0x3: {  	_ = 	snop  }
0x4: {  	_ = 	snop  }
0x5: {  	_ = 	snop  }
0x6: {  	_ = 	snop  }
0x7: {  	_ = 	snop  }
__scs_overlays_trampoline_lowered:
0x8: {  	[smem:$0x3FA8] =	sst s0  }
0x9: {  	[smem:$0x3FA9] =	sst s1  }
0xa: {  	[smem:$0x3FAA] =	sst s2  }
0xb: {  	[smem:$0x3FAB] =	sst s3  }
0xc: {  	[smem:$0x3FAC] =	sst s4  }
0xd: {  	[smem:$0x3FAD] =	sst s5  }
0xe: {  	[smem:$0x3FAE] =	sst s6  }
0xf: {  	[smem:$0x3FAF] =	sst s7  }
0x10: {  	[smem:$0x3FB0] =	sst s8  }
0x11: {  	[smem:$0x3FB1] =	sst s9;
	s0 =	simm.s32 @!p0 $0x0  }
0x12: {  	s1 =	sld [smem:$0x3F97];
	s0 =	simm.s32 @p0 $0x1  }
0x13: {  	[smem:$0x3FB2] =	sst s0;
	s0 =	simm.s32 @!p1 $0x0  }
0x14: {  	s2 =	sld [smem:$0x3F96];
	s0 =	simm.s32 @p1 $0x1  }
0x15: {  	[smem:$0x3FB3] =	sst s0;
	s0 =	simm.s32 @!p2 $0x0  }
0x16: {  	s3 =	sld [smem:$0x3FDB];
	s0 =	simm.s32 @p2 $0x1  }
0x17: {  	s4 =	simm.s32 $0x1BF5;
	[smem:$0x3FB5] =	sst s0  }
0x18: {  	s0 =	sld [smem:$0x3F98];
	_ =	swait.ge [sflag:s4], $0x0  }
0x19: {  	s7 =	sld [smem:$0x3F99]  }
0x1a: {  	s8 =	sadd.s32 $0xFFFFE003, lr  }
0x1b: {  	s9 =	sadd.s32 $0xFFFFFEF7, lr;
	s5 =	simm.s32 $0xFFFFFFFF;
	p2 =	slt.u32 s8, $0xFFFFF086  }
0x1c: {  	p1 =	slt.u32 s9, $0xF7A;
	s5 =	simm.s32 @!p2 $0x0  }
0x1d: {  	s5 =	simm.s32 @p1 $0x1;
	p0 =	seq.s32 s7, s2  }
0x1e: {  	s7 =	smul.u32 @!p0 $0xF7A, s2;
	p2 =	seq.s32 @!p0 s5, $0x0  }
0x1f: {  	s9 =	smul.u32 $0xF7A, s1;
	s8 =	simm.s32 @!p0 $0x1BF5;
	p2 =	por !p2, p0  }
0x20: {  	[sflag:s8] =	ssyncset.s32 @!p0 $0xFFFFF086;
	s6 =	sadd.s32 @!p0 s3, s7;
	s7 =	simm.s32 @!p0 $0x108  }
0x21: {  	s3 =	sadd.s32 s3, s9;
	s6 =	sadd.s32 @!p0 $0x88, s6;
	s7 =	simm.s32 @p2 $0x1082  }
0x22: {  	[simem:s7], [sflag:s8] =	dma.local @!p0 [hbm:s6], $0xF7A  }
0x23: {  	s9 =	sor.u32 $0xD0000000, s2;
	s6 =	simm.s32 $0x108;
	_ =	swait.ge @!p0 [sflag:s8], $0x0  }
0x24: {  	s3 =	sadd.s32 $0x88, s3;
	s6 =	simm.s32 @!p1 $0x1082;
	[sflag:s4] =	ssyncset.s32 $0xFFFFF086  }
0x25: {  	[simem:s6], [sflag:s4] =	dma.local [hbm:s3], $0xF7A  }
0x26: {  	[smem:$0x3F99] =	sst s1;
	(tag) =	ssettag s2;
	_ =	strace s9  }
0x27: {  	s1 =	sld [smem:$0x3FA9]  }
0x28: {  	s2 =	sld [smem:$0x3FAA]  }
0x29: {  	s4 =	sld [smem:$0x3FAC]  }
0x2a: {  	p0 =	seq.s32 s5, $0x0;
	s5 =	sld [smem:$0x3FAD]  }
0x2b: {  	s6 =	sld [smem:$0x3FAE]  }
0x2c: {  	s7 =	sld [smem:$0x3FAF]  }
0x2d: {  	s3 =	simm.s32 $0x108;
	s8 =	sld [smem:$0x3FB0]  }
0x2e: {  	s3 =	simm.s32 @!p0 $0x1082;
	s9 =	sld [smem:$0x3FB1]  }
0x2f: {  	lr =	sadd.s32 s0, s3;
	s0 =	sld [smem:$0x3FA8]  }
0x30: {  	s3 =	sld [smem:$0x3FAB]  }
0x31: {  	[smem:$0x3FB4] =	sst s10  }
0x32: {  	s10 =	sld [smem:$0x3FB2];
	_ =	sdelay $0x3  }
0x33: {  	p0 =	seq.s32 s10, $0x1;
	s10 =	sld [smem:$0x3FB4];
	_ =	sdelay $0x3  }
0x34: {  	[smem:$0x3FB4] =	sst s10  }
0x35: {  	s10 =	sld [smem:$0x3FB3];
	_ =	sdelay $0x3  }
0x36: {  	p1 =	seq.s32 s10, $0x1;
	s10 =	sld [smem:$0x3FB4];
	_ =	sdelay $0x3  }
0x37: {  	[smem:$0x3FB4] =	sst s10  }
0x38: {  	s10 =	sld [smem:$0x3FB5]  }
0x39: {  	_ = 	snop;
	(pc) =	sbr.ind lr, $3  }
0x3a: {  	_ = 	snop  }
0x3b: {  	_ = 	snop  }
0x3c: {  	p2 =	seq.s32 s10, $0x1;
	s10 =	sld [smem:$0x3FB4]  }
0x3d: {  	_ =	shalt  }
0x3e: {  	_ =	shalt  }
0x3f: {  	_ =	shalt  }
0x40: {  	_ =	shalt  }
0x41: {  	_ =	shalt  }
0x42: {  	_ =	shalt  }
0x43: {  	_ =	shalt  }
0x44: {  	_ =	shalt  }
0x45: {  	_ =	shalt  }
0x46: {  	_ =	shalt  }
0x47: {  	_ =	shalt  }
0x48: {  	_ =	shalt  }
0x49: {  	_ =	shalt  }
0x4a: {  	_ =	shalt  }
0x4b: {  	_ =	shalt  }
0x4c: {  	_ =	shalt  }
0x4d: {  	_ =	shalt  }
0x4e: {  	_ =	shalt  }
0x4f: {  	_ =	shalt  }
0x50: {  	_ =	shalt  }
0x51: {  	_ =	shalt  }
0x52: {  	_ =	shalt  }
0x53: {  	_ =	shalt  }
0x54: {  	_ =	shalt  }
0x55: {  	_ =	shalt  }
0x56: {  	_ =	shalt  }
0x57: {  	_ =	shalt  }
0x58: {  	_ =	shalt  }
0x59: {  	_ =	shalt  }
0x5a: {  	_ =	shalt  }
0x5b: {  	_ =	shalt  }
0x5c: {  	_ =	shalt  }
0x5d: {  	_ =	shalt  }
0x5e: {  	_ =	shalt  }
0x5f: {  	_ =	shalt  }
0x60: {  	_ =	shalt  }
0x61: {  	_ =	shalt  }
0x62: {  	_ =	shalt  }
0x63: {  	_ =	shalt  }
0x64: {  	_ =	shalt  }
0x65: {  	_ =	shalt  }
0x66: {  	_ =	shalt  }
0x67: {  	_ =	shalt  }
0x68: {  	_ =	shalt  }
0x69: {  	_ =	shalt  }
0x6a: {  	_ =	shalt  }
0x6b: {  	_ =	shalt  }
0x6c: {  	_ =	shalt  }
0x6d: {  	_ =	shalt  }
0x6e: {  	_ =	shalt  }
0x6f: {  	_ =	shalt  }
0x70: {  	_ =	shalt  }
0x71: {  	_ =	shalt  }
0x72: {  	_ =	shalt  }
0x73: {  	_ =	shalt  }
0x74: {  	_ =	shalt  }
0x75: {  	_ =	shalt  }
0x76: {  	_ =	shalt  }
0x77: {  	_ =	shalt  }
0x78: {  	_ =	shalt  }
0x79: {  	_ =	shalt  }
0x7a: {  	_ =	shalt  }
0x7b: {  	_ =	shalt  }
0x7c: {  	_ =	shalt  }
0x7d: {  	_ =	shalt  }
0x7e: {  	_ =	shalt  }
0x7f: {  	_ =	shalt  }
0x80: {  	_ =	shalt  }
0x81: {  	_ =	shalt  }
0x82: {  	_ =	shalt  }
0x83: {  	_ =	shalt  }
0x84: {  	_ =	shalt  }
0x85: {  	_ =	shalt  }
0x86: {  	_ =	shalt  }
0x87: {  	_ =	shalt  }
.Lfunc_end0:
.L_simem_size_0:
called_computation_lowered:
.L_overlay_start_0:
0x88: {  	s2 =	sld [smem:$0x3FD9]  }
0x89: {  	s3 =	sld [smem:$0x3FFE];
	_ =	sdelay $0x1  }
0x8a: {  	s1 =	srdreg.scid  }
0x8b: {  	s0 =	sand.u32 $0x1, s1  }
0x8c: {  	s16 =	sshll.u32 s0, $0xA;
	s2 =	sadd.s32 s3, s2  }
0x8d: {  	s2 =	sadd.s32 s2, s16  }
0x8e: {  	[smem:$0x3FC0] =	sst s2  }
0x8f: {  	_ = 	snop  }
0x90: {  	(tm) =	ssettm $0x1  }
0x91: {  	s17 =	sld [smem:$0x3FFB];
	_ =	sdelay $0x3  }
0x92: {  	_ =	strace s17  }
0x93: {  	s2 =	sld [smem:$0x3FFC];
	_ =	sdelay $0x3  }
0x94: {  	_ =	strace s2  }
0x95: {  	s2 =	sld [smem:$0x3FFD];
	_ =	sdelay $0x3  }
0x96: {  	_ =	strace s2  }
0x97: {  	_ =	strace $0x8FFFFFFF  }
0x98: {  	s18 =	sld [smem:$0x3FDB];
	_ =	sdelay $0x1  }
0x99: {  	s19 =	simm.s32 $_scs_section_size  }
0x9a: {  	s4 =	simm.s32 $_size__tile_overlayer_lowered;
	s5 =	simm.s32 $_tile_overlayer_lowered  }
0x9b: {  	s22 =	simm.s32 $0x1BFF;
	s21 =	sshll.u32 s5, $0x1;
	s2 =	sadd.s32 s19, s18  }
0x9c: {  	s6 =	simm.s32 $0x0;
	s20 =	sshll.u32 s4, $0x1;
	s4 =	sadd.s32 s21, s2  }
0x9d: {  	[timem:s6], [sflag:s22] =	dma.local [hbm:s4], s20  }
0x9e: {  	_ =	swait.ge [sflag:s22], s20  }
0x9f: {  	s3 =	ssub.s32 $0x0, s20;
	[sflag:s22] =	ssyncset.done $0x0  }
0xa0: {  	[sflag:s22] =	ssyncadd.s32 s3;
	_ =	sdelay $0x1  }
0xa1: {  	s23 =	simm.s32 $0x1B8B  }
0xa2: {  	_ =	swait.ge [sflag:s23], $0x1  }
0xa3: {  	[sflag:s23] =	ssyncset.done $0x0  }
0xa4: {  	s25 =	simm.s32 $0x1B8E;
	s24 =	sld [smem:$0x3FFE];
	[sflag:s23] =	ssyncadd.s32 $0xFFFFFFFF  }
0xa5: {  	s26 =	simm.s32 $execute0_lowered;
	[smem:$0x3FD2] =	sst s25  }
0xa6: {  	s4 =	sshll.u32 s26, $0x1;
	_ =	strace $0x80000046;
	[dreg:$0x1] =	wrdreg $0xFFFFFFFF  }
0xa7: {  	s28 =	simm.s32 $_size_execute0_lowered;
	s2 =	sadd.s32 s2, s4;
	[dreg:$0x0] =	wrdreg $0x0  }
0xa8: {  	s4 =	sshll.u32 s28, $0x1;
	[dreg:$0x2] =	wrdreg s2  }
0xa9: {  	[dreg:$0x3] =	wrdreg s4  }
0xaa: {  	[dreg:$0x4] =	wrdreg $0xC0  }
0xab: {  	_ =	task [dreg:s6], $0x5FFFF  }
0xac: {  	[dreg:$0x1] =	wrdreg $0xFFFFFFFF  }
0xad: {  	[dreg:$0x0] =	wrdreg $0x60  }
0xae: {  	[dreg:$0x2] =	wrdreg s24  }
0xaf: {  	[dreg:$0x3] =	wrdreg $0x9  }
0xb0: {  	_ =	task.clear_ibuf [dreg:s6], $0x4FFFF;
	_ =	strace $0x90000046  }
0xb1: {  	s29 =	simm.s32 $0x9;
	_ =	strace $0x80000048  }
0xb2: {  	_ =	swait.ge [sflag:s29], $0x1  }
0xb3: {  	[sflag:s29] =	ssyncadd.s32 $0xFFFFFFFF  }
0xb4: {  	_ =	strace $0x90000048  }
0xb5: {  	_ =	sfence  }
0xb6: {  	s30 =	sld [smem:$0x0];
	_ =	sdelay $0x2  }
0xb7: {  	s31 =	sshll.u32 s1, $0xD;
	s1 =	sshrl.u32 s1, $0x2  }
0xb8: {  	s3 =	sand.u32 $0x4000, s31;
	s1 =	sadd.s32 s1, s30  }
0xb9: {  	s0 =	sor.u32 s3, s0;
	s1 =	sshll.u32 s1, $0x11  }
0xba: {  	s0 =	sor.u32 s1, s0  }
0xbb: {  	s0 =	sadd.s32 $0x8F2B, s0  }
0xbc: {  	[sflag:s0] =	ssyncadd.remote.s32 $0x1  }
0xbd: {  	_ =	sfence.sel $0xFFFF  }
0xbe: {  	[dreg:$0x0] =	wrdreg $0xFFFFFFFF;
	(pc) =	sbr.abs _section_cstart, $3  }
0xbf: {  	[dreg:$0x1] =	wrdreg $0xFFFFFFFF  }
0xc0: {  	_ =	task.clear_ibuf [dreg:s6], $0x2FFFF;
	_ =	strace $0x9FFFFFFF  }
0xc1: {  	(tm) =	ssettm $0x7FFFFFFF  }
tec
execute0_lowered:
.L_overlay_start_1:
0x0: {  	(tag) =	ssettag $0x1  }
0x1: {  	s0 =	srdreg.scid  }
0x2: {  	s5 =	rddreg [dreg:$0x0];
	s3 =	sand.u32 $0x1, s0  }
0x3: {  	s0 =	stileid.u32;
	s4 =	smul.u32 $0x27100, s3  }
0x4: {  	s1 =	rddreg [dreg:$0x1];
	s2 =	simm.s32 $0x0;
	s6 =	smul.u32 $0x2710, s0  }
0x5: {  	s8 =	simm.s32 $0x1;
	s9 =	simm.s32 $0x0;
	[smem:$0x7FF] =	sst s2  }
0x6: {  	s31 =	ssub.s32 $0x2, s3;
	_ =	strace $0x80000047;
	s4 =	sadd.s32 s6, s4  }
0x7: {  	s3 =	sadd.s32 $0x15000, s5;
	s7 =	sshrl.u32 s31, $0x1;
	s4 =	sshrl.u32 s4, $0x3  }
0x8: {  	s6 =	ssub.s32 s31, s7;
	s7 =	simm.s32 $0x2710;
	s5 =	sadd.s32 s4, s5  }
0x9: {  	v0 =	vimm.f32 $1.000000000e+00;
	s6 =	smax.u32 s6, $0x1;
	s4 =	sadd.s32 $0x1400, s5;
	s5 =	sadd.s32 $0x15600, s5  }
.LBB2_1:
0xa: {  	[tilespmem:s7], [sflag:$0x1] =	stream.linear.gather [hbm4b:s3+s2], $0x2710, $0x38;
	[tilespmem:$0x4E20] =	vst v63  }
0xb: {  	_ =	swait.ge [sflag:s8], $0x2710  }
0xc: {  	[sflag:s8] =	ssyncset.done $0x0  }
0xd: {  	[sflag:s8] =	ssyncadd.s32 $0xFFFFD8F0  }
0xe: {  	[tilespmem:s2], [sflag:$0x1] =	stream.linear.gather [hbm4b:s4+s2], $0x2710, $0x38;
	[tilespmem:$0x4E20] =	vst v63  }
0xf: {  	_ =	swait.ge [sflag:s8], $0x2710  }
0x10: {  	[sflag:s8] =	ssyncset.done $0x0  }
0x11: {  	s11 =	simm.s32 $0x0;
	s10 =	simm.s32 $0x40;
	[sflag:s8] =	ssyncadd.s32 $0xFFFFD8F0  }
.LBB2_2:
0x12: {  	p0 =	sne.s32 s10, $0x9C00;
	v1 =	vld [tilespmem:s11+$0x0];
	_ =	sdelay $0x3  }
.Ltmp0:
0x13: {  	(pc) =	sbr.rel @p0 .LBB2_2-.Ltmp0, $2  }
0x14: {  	_ =	sdelay $0x2  }
0x15: {  	s11 =	sshra.s32 s10, $0x2;
	s10 =	sadd.s32 $0x40, s10;
	[tilespmem:v1+s7+$0x0] =	vst.idx.add.f32.msk $0xffff, v0  }
0x16: {  	v1 =	vld [tilespmem:s11+$0x0];
	_ =	sdelay $0x5  }
0x17: {  	s9 =	sadd.s32 $0x1, s9  }
0x18: {  	p0 =	sne.s32 s9, s6  }
.Ltmp1:
0x19: {  	[tilespmem:v1+s7+$0x0] =	vst.idx.add.f32.msk $0xffff, v0;
	(pc) =	sbr.rel @p0 .LBB2_1-.Ltmp1, $4  }
0x1a: {  	[hbm4b:s5+s2] =	stream.linear.scatter [tilespmem:s7], [sflag:$0x1], $0x2710, $0x38;
	[tilespmem:$0x4E20] =	vst v63  }
0x1b: {  	_ =	swait.ge [sflag:s8], $0x2710  }
0x1c: {  	[sflag:s8] =	ssyncset.done $0x0  }
0x1d: {  	[sflag:s8] =	ssyncadd.s32 $0xFFFFD8F0  }
0x1e: {  	_ =	sfence.sel $0x180000  }
0x1f: {  	[bflag:$0x0] =	sbarrier.arrive $0xFFFF  }
0x20: {  	p0 =	sne.s32 s0, $0x0;
	_ =	strace $0x90000047  }
0x21: {  	s0 =	sadd.s32 @!p0 $0x100000, s1;
	[bflag:$0x2] =	sbarrier.arrive $0xFFFF  }
0x22: {  	[sflag:s0] =	ssyncadd.tile.s32 @!p0 $0x1;
	_ =	shalt  }
.Lfunc_end2:
_tile_overlayer_lowered:
.L_overlay_start_2:
0x23: {  	(tag) =	ssettag $0x2  }
0x24: {  	s0 =	rddreg [dreg:$0x0];
	s2 =	stileid.u32  }
0x25: {  	s1 =	rddreg [dreg:$0x1];
	p0 =	sne.s32 s2, $0x0  }
0x26: {  	s3 =	rddreg [dreg:$0x2];
	[bflag:$0x3] =	sbarrier.arrive $0xFFFF;
	s2 =	simm.s32 @!p0 $0x1C01  }
0x27: {  	[timem:s3], [sflag:s2] =	dma.local @!p0 [hbm:s0], s1  }
0x28: {  	s0 =	simm.s32 @!p0 $0x1  }
0x29: {  	_ =	swait.ge @!p0 [sflag:s0], s1  }
0x2a: {  	s1 =	ssub.s32 @!p0 $0x0, s1;
	[sflag:s0] =	ssyncset.done @!p0 $0x0  }
0x2b: {  	[sflag:s0] =	ssyncadd.s32 @!p0 s1  }
0x2c: {  	[bflag:$0x3] =	sbarrier.arrive $0xFFFF  }
0x2d: {  	_ =	shalt  }

</sc_bundles>
